<compile_context>
chip_gen: v7x
topology: tpu7x:2x2x1
jax: 0.10.2.dev20260603
libtpu: 0.0.44.dev20260713+nightly
codegen_flags: <defaults>
</compile_context>

<pallas_src>
import functools

import jax
import jax.numpy as jnp
from jax import lax
from jax.experimental import pallas as pl
from jax.experimental.pallas import tpu as pltpu
from jax.experimental.pallas import tpu_sc as plsc

_DIMS = (((1,), (0,)), ((), ()))


def _dot_bf16(a, b):
    return lax.dot_general(a.astype(jnp.bfloat16), b.astype(jnp.bfloat16),
                           _DIMS, preferred_element_type=jnp.float32)


def _knn_body(n2, tiles_per_batch, x1_ref, x2t_ref, gidx_ref, w_ref):
    step = pl.program_id(0)

    x1 = x1_ref[...]
    x2t = x2t_ref[0, 0:3, :]
    x1sq = jnp.sum(x1 * x1, axis=1, keepdims=True)
    x2sq = jnp.sum(x2t * x2t, axis=0, keepdims=True)
    d2 = (x1sq + x2sq) + _dot_bf16(x1 * jnp.float32(-2.0), x2t)

    T = x1.shape[0]
    iota = lax.broadcasted_iota(jnp.int32, (T, n2), 1).astype(jnp.float32)
    n2f = jnp.float32(n2)
    big = jnp.float32(3.4e38)

    m0 = jnp.min(d2, axis=1, keepdims=True)
    am0 = jnp.min(jnp.where(d2 == m0, iota, n2f), axis=1, keepdims=True)
    dm = jnp.where(iota == am0, big, d2)
    m1 = jnp.min(dm, axis=1, keepdims=True)
    am1 = jnp.min(jnp.where(dm == m1, iota, n2f), axis=1, keepdims=True)
    dm2 = jnp.where(iota == am1, big, dm)
    m2 = jnp.min(dm2, axis=1, keepdims=True)
    am2 = jnp.min(jnp.where(dm2 == m2, iota, n2f), axis=1, keepdims=True)
    vals = [m0, m1, m2]
    idxs = [am0.astype(jnp.int32), am1.astype(jnp.int32),
            am2.astype(jnp.int32)]

    recips = [1.0 / (jnp.sqrt(jnp.maximum(v, 0.0)) + 1e-8) for v in vals]
    norm = recips[0] + recips[1] + recips[2]
    ws = [r / norm for r in recips]

    bofs = (step // tiles_per_batch) * n2
    gs = [i + bofs for i in idxs]
    gcat = jnp.concatenate(gs + gs + gs[:2], axis=1)
    gidx_ref[0] = jnp.transpose(gcat, (1, 0))
    w_ref[...] = jnp.concatenate(ws + ws + ws[:2], axis=1)


def _make_sc_gather(total_q, chunk, d):
    info = plsc.get_sparse_core_info()
    nc, ns = info.num_cores, info.num_subcores
    nw = nc * ns
    mesh = plsc.VectorSubcoreMesh(core_axis_name="c", subcore_axis_name="s")
    q_per_w = total_q // nw
    c_per_w = q_per_w // chunk
    n_chunks = 3 * c_per_w

    nbuf = 4

    @functools.partial(
        pl.kernel, mesh=mesh,
        out_type=jax.ShapeDtypeStruct((3 * total_q, d), jnp.float32),
        scratch_types=(
            [pltpu.VMEM((8, q_per_w), jnp.int32)]
            + [pltpu.VMEM((chunk, d), jnp.float32) for _ in range(nbuf)]
            + [pltpu.SemaphoreType.DMA for _ in range(2 * nbuf)]
        ),
    )
    def gather_kernel(gidx_hbm, table_hbm, out_hbm, idx_v, *scr):
        bufs = scr[:nbuf]
        rsems = scr[nbuf:2 * nbuf]
        wsems = scr[2 * nbuf:3 * nbuf]
        wid = lax.axis_index("s") * nc + lax.axis_index("c")
        pltpu.sync_copy(gidx_hbm.at[wid], idx_v)

        def cp_read(j):
            k, c = j // c_per_w, j % c_per_w
            return pltpu.async_copy(
                table_hbm.at[idx_v.at[k, pl.ds(c * chunk, chunk)]],
                bufs[j % nbuf], rsems[j % nbuf])

        def cp_write(j):
            k, c = j // c_per_w, j % c_per_w
            base = k * total_q + wid * q_per_w + c * chunk
            return pltpu.async_copy(bufs[j % nbuf],
                                    out_hbm.at[pl.ds(base, chunk)],
                                    wsems[j % nbuf])

        rh = [None] * n_chunks
        wh = [None] * n_chunks
        depth = nbuf - 1
        for j in range(min(depth, n_chunks)):
            rh[j] = cp_read(j)
        for j in range(n_chunks):
            rh[j].wait()
            wh[j] = cp_write(j)
            nj = j + depth
            if nj < n_chunks:
                if nj - nbuf >= 0:
                    wh[nj - nbuf].wait()
                rh[nj] = cp_read(nj)
        for j in range(max(0, n_chunks - nbuf), n_chunks):
            wh[j].wait()

    return gather_kernel, nw


def _mlp_body(total_n, tile, g_ref, w_ref, p1_ref, w1t_ref, b1_ref,
              gamma_ref, beta_ref, w2t_ref, b2_ref, out_ref,
              y1_scr, sums_scr):
    phase = pl.program_id(0)
    i = pl.program_id(1)

    @pl.when(phase == 0)
    def _phase0():
        w = w_ref[...]
        interp = (w[:, 0:1] * g_ref[0]
                  + w[:, 1:2] * g_ref[1]
                  + w[:, 2:3] * g_ref[2])
        y1 = (_dot_bf16(p1_ref[...], w1t_ref[0:64, :])
              + _dot_bf16(interp, w1t_ref[64:192, :])
              + b1_ref[...])
        y1_scr[pl.ds(i * tile, tile), :] = y1

        @pl.when(i == 0)
        def _init():
            sums_scr[...] = jnp.zeros_like(sums_scr)

        sums_scr[0:1, :] = (sums_scr[0:1, :]
                            + jnp.sum(y1, axis=0, keepdims=True))
        sums_scr[1:2, :] = (sums_scr[1:2, :]
                            + jnp.sum(y1 * y1, axis=0, keepdims=True))

    @pl.when(phase == 1)
    def _phase1():
        inv_n = jnp.float32(1.0 / total_n)
        mean = sums_scr[0:1, :] * inv_n
        var = sums_scr[1:2, :] * inv_n - mean * mean
        scale = gamma_ref[...] / jnp.sqrt(var + 1e-5)
        y = (y1_scr[pl.ds(i * tile, tile), :] - mean) * scale + beta_ref[...]
        y = jnp.maximum(y, 0.0)
        out_ref[...] = _dot_bf16(y, w2t_ref[...]) + b2_ref[...]


def kernel(xyz1, xyz2, points1, points2, W1, b1, gamma, beta, W2, b2):
    B, N1, _ = xyz1.shape
    _, N2, _ = xyz2.shape
    C1 = points1.shape[-1]
    C2 = points2.shape[-1]
    Cout = W1.shape[0]
    T = 512
    tiles_per_batch = N1 // T
    n_tiles = B * tiles_per_batch
    total_n = B * N1
    CHUNK = 128

    x1r = xyz1.reshape(B * N1, 3)
    x2t = jnp.pad(jnp.transpose(xyz2, (0, 2, 1)), ((0, 0), (0, 5), (0, 0)))
    p1 = points1.reshape(B * N1, C1)
    w1t = W1.T
    w2t = W2.T
    b1r = b1.reshape(1, Cout)
    b2r = b2.reshape(1, Cout)
    gr = gamma.reshape(1, Cout)
    br = beta.reshape(1, Cout)

    n_workers = B * N1 // T
    gidx_t, w = pl.pallas_call(
        functools.partial(_knn_body, N2, tiles_per_batch),
        grid=(n_tiles,),
        in_specs=[
            pl.BlockSpec((T, 3), lambda i: (i, 0)),
            pl.BlockSpec((1, 8, N2), lambda i, tpb=tiles_per_batch: (i // tpb, 0, 0)),
        ],
        out_specs=[
            pl.BlockSpec((1, 8, T), lambda i: (i, 0, 0)),
            pl.BlockSpec((T, 8), lambda i: (i, 0)),
        ],
        out_shape=[
            jax.ShapeDtypeStruct((n_workers, 8, T), jnp.int32),
            jax.ShapeDtypeStruct((B * N1, 8), jnp.float32),
        ],
    )(x1r, x2t)

    gather_kernel, nw = _make_sc_gather(B * N1, CHUNK, C2)
    table = points2.reshape(B * N2, C2)

    gathered = gather_kernel(gidx_t, table)
    g3 = gathered.reshape(3, B * N1, C2)

    out = pl.pallas_call(
        functools.partial(_mlp_body, total_n, T),
        grid=(2, n_tiles),
        in_specs=[
            pl.BlockSpec((3, T, C2), lambda p, i: (0, jnp.where(p == 0, i, 0), 0)),
            pl.BlockSpec((T, 8), lambda p, i: (jnp.where(p == 0, i, 0), 0)),
            pl.BlockSpec((T, C1), lambda p, i: (jnp.where(p == 0, i, 0), 0)),
            pl.BlockSpec((C1 + C2, Cout), lambda p, i: (0, 0)),
            pl.BlockSpec((1, Cout), lambda p, i: (0, 0)),
            pl.BlockSpec((1, Cout), lambda p, i: (0, 0)),
            pl.BlockSpec((1, Cout), lambda p, i: (0, 0)),
            pl.BlockSpec((Cout, Cout), lambda p, i: (0, 0)),
            pl.BlockSpec((1, Cout), lambda p, i: (0, 0)),
        ],
        out_specs=pl.BlockSpec((T, Cout), lambda p, i: (jnp.where(p == 0, 0, i), 0)),
        out_shape=jax.ShapeDtypeStruct((B * N1, Cout), jnp.float32),
        scratch_shapes=[
            pltpu.VMEM((B * N1, Cout), jnp.float32),
            pltpu.VMEM((8, Cout), jnp.float32),
        ],
    )(g3, w, p1, w1t, b1r, gr, br, w2t, b2r)

    return out.reshape(B, N1, Cout)

# --- scband reference (transcript-rebuilt; emitter-appended) ---
"""Pipeline reference for scband-shared-transition-up-56710748176531 (READ-ONLY COPY).

The authoritative reference and input builder live on the scoring server;
editing this copy changes nothing except your own understanding.
"""

import jax, jax.numpy as jnp
import numpy as np


def setup_inputs(seed: int = 0) -> dict:
    key = jax.random.key(seed)
    ks = jax.random.split(key, 8)
    B, N1, N2, C1, C2 = 2, 8192, 2048, 64, 128
    Cin, Cout = C1 + C2, 128
    return {
        "xyz1": jax.random.normal(ks[0], (B, N1, 3), dtype=jnp.float32),
        "xyz2": jax.random.normal(ks[1], (B, N2, 3), dtype=jnp.float32),
        "points1": jax.random.normal(ks[2], (B, N1, C1), dtype=jnp.float32),
        "points2": jax.random.normal(ks[3], (B, N2, C2), dtype=jnp.float32),
        "W1": jax.random.normal(ks[4], (Cout, Cin), dtype=jnp.float32) * 0.05,
        "b1": jnp.zeros((Cout,), dtype=jnp.float32),
        "gamma": jnp.ones((Cout,), dtype=jnp.float32),
        "beta": jnp.zeros((Cout,), dtype=jnp.float32),
        "W2": jax.random.normal(ks[5], (Cout, Cout), dtype=jnp.float32) * 0.05,
        "b2": jnp.zeros((Cout,), dtype=jnp.float32),
    }


def reference(xyz1, xyz2, points1, points2, W1, b1, gamma, beta, W2, b2):
    B, N1, _ = xyz1.shape
    _, N2, _ = xyz2.shape
    # torch.cdist: pairwise Euclidean distances [B, N1, N2]
    d2 = (jnp.sum(xyz1 ** 2, axis=-1)[:, :, None]
          + jnp.sum(xyz2 ** 2, axis=-1)[:, None, :]
          - 2.0 * jnp.einsum('bnd,bmd->bnm', xyz1, xyz2))
    dists = jnp.sqrt(jnp.maximum(d2, 0.0))
    # topk smallest (k = min(3, N2))
    k = min(3, N2)
    neg_vals, idx = jax.lax.top_k(-dists, k)
    dists_k = -neg_vals
    dist_recip = 1.0 / (dists_k + 1e-08)
    norm = jnp.sum(dist_recip, axis=2, keepdims=True)
    weight = dist_recip / norm
    # index_points: gather points2 at idx -> [B, N1, k, C2]
    batch_idx = jnp.arange(B)[:, None, None]
    gathered = points2[batch_idx, idx]
    interpolated = jnp.sum(gathered * weight[..., None], axis=2)
    new_points = jnp.concatenate([points1, interpolated], axis=-1)
    x = jnp.transpose(new_points, (0, 2, 1))  # [B, Cin, N1]
    # Conv1d(kernel=1) -> matmul
    y = jnp.einsum('oc,bcn->bon', W1, x) + b1[None, :, None]
    # BatchNorm1d (training-mode batch stats, biased var, eps=1e-5)
    mean = jnp.mean(y, axis=(0, 2), keepdims=True)
    var = jnp.mean((y - mean) ** 2, axis=(0, 2), keepdims=True)
    y = (y - mean) / jnp.sqrt(var + 1e-5)
    y = y * gamma[None, :, None] + beta[None, :, None]
    y = jnp.maximum(y, 0.0)
    y = jnp.einsum('oc,bcn->bon', W2, y) + b2[None, :, None]
    return jnp.transpose(y, (0, 2, 1))

if __name__ == "__main__":
    import jax
    _d = setup_inputs()
    print(jax.jit(kernel)(*tuple(_d.values())))

</pallas_src>

<mosaic_0001>
#map = affine_map<(d0, d1) -> (0, 0, 0)>
#map1 = affine_map<(d0, d1) -> (0, 0)>
module attributes {stable_mosaic.version = 14 : i64} {
  func.func @gather_kernel(%arg0: i32, %arg1: i32, %arg2: memref<32x8x512xi32, #tpu.memory_space<hbm>>, %arg3: memref<4096x128xf32, #tpu.memory_space<hbm>>, %arg4: memref<49152x128xf32, #tpu.memory_space<hbm>>, %arg5: memref<8x512xi32, #tpu.memory_space<vmem>>, %arg6: memref<128x128xf32, #tpu.memory_space<vmem>>, %arg7: memref<128x128xf32, #tpu.memory_space<vmem>>, %arg8: memref<128x128xf32, #tpu.memory_space<vmem>>, %arg9: memref<128x128xf32, #tpu.memory_space<vmem>>, %arg10: memref<!tpu.dma_semaphore, #tpu.memory_space<semaphore_mem>>, %arg11: memref<!tpu.dma_semaphore, #tpu.memory_space<semaphore_mem>>, %arg12: memref<!tpu.dma_semaphore, #tpu.memory_space<semaphore_mem>>, %arg13: memref<!tpu.dma_semaphore, #tpu.memory_space<semaphore_mem>>, %arg14: memref<!tpu.dma_semaphore, #tpu.memory_space<semaphore_mem>>, %arg15: memref<!tpu.dma_semaphore, #tpu.memory_space<semaphore_mem>>, %arg16: memref<!tpu.dma_semaphore, #tpu.memory_space<semaphore_mem>>, %arg17: memref<!tpu.dma_semaphore, #tpu.memory_space<semaphore_mem>>) attributes {dimension_semantics = [#tpu.dimension_semantics<core_parallel>, #tpu.dimension_semantics<subcore_parallel>], iteration_bounds = array<i64: 2, 16>, scalar_prefetch = 0 : i64, scratch_operands = 13 : i64, tpu.core_type = #tpu.core_type<sc_vector_subcore>, window_params = [{transform_indices = #map}, {transform_indices = #map1}, {transform_indices = #map1}]} {
    %mul3A = arith.constant 2 : i32
    %mul3A_0 = arith.muli %arg1, %mul3A : i32
    %add3A = arith.addi %mul3A_0, %arg0 : i32
    "tpu.region"() ({
      %run_scoped3A = tpu.sem_alloc : memref<!tpu.dma_semaphore, #tpu.memory_space<semaphore_mem>>
      %dma_start3A_335 = arith.constant 0 : i32
      %dma_start3A_336 = arith.constant 0 : i32
      %dma_start3A_337 = tpu.memref_slice %arg2[%add3A, %dma_start3A_335, %dma_start3A_336] : memref<32x8x512xi32, #tpu.memory_space<hbm>> -> memref<1x8x512xi32, #tpu.memory_space<hbm>>
      %dma_start3A_338 = tpu.memref_squeeze %dma_start3A_337 : memref<1x8x512xi32, #tpu.memory_space<hbm>> -> memref<8x512xi32, #tpu.memory_space<hbm>>
      %dma_start3A_339 = arith.constant 0 : i32
      %dma_start3A_340 = arith.constant 0 : i32
      %dma_start3A_341 = tpu.memref_slice %arg2[%add3A, %dma_start3A_339, %dma_start3A_340] : memref<32x8x512xi32, #tpu.memory_space<hbm>> -> memref<1x8x512xi32, #tpu.memory_space<hbm>>
      %dma_start3A_342 = tpu.memref_squeeze %dma_start3A_341 : memref<1x8x512xi32, #tpu.memory_space<hbm>> -> memref<8x512xi32, #tpu.memory_space<hbm>>
      tpu.enqueue_dma source(%dma_start3A_342 : memref<8x512xi32, #tpu.memory_space<hbm>>) target(%arg5 : memref<8x512xi32, #tpu.memory_space<vmem>>) target_semaphore(%run_scoped3A : memref<!tpu.dma_semaphore, #tpu.memory_space<semaphore_mem>>)
      %dma_wait3A_343 = arith.constant 0 : i32
      %dma_wait3A_344 = arith.constant 0 : i32
      %dma_wait3A_345 = tpu.memref_slice %arg2[%add3A, %dma_wait3A_343, %dma_wait3A_344] : memref<32x8x512xi32, #tpu.memory_space<hbm>> -> memref<1x8x512xi32, #tpu.memory_space<hbm>>
      %dma_wait3A_346 = tpu.memref_squeeze %dma_wait3A_345 : memref<1x8x512xi32, #tpu.memory_space<hbm>> -> memref<8x512xi32, #tpu.memory_space<hbm>>
      %dma_wait3A_347 = arith.constant 0 : i32
      %dma_wait3A_348 = arith.constant 0 : i32
      %dma_wait3A_349 = tpu.memref_slice %arg2[%add3A, %dma_wait3A_347, %dma_wait3A_348] : memref<32x8x512xi32, #tpu.memory_space<hbm>> -> memref<1x8x512xi32, #tpu.memory_space<hbm>>
      %dma_wait3A_350 = tpu.memref_squeeze %dma_wait3A_349 : memref<1x8x512xi32, #tpu.memory_space<hbm>> -> memref<8x512xi32, #tpu.memory_space<hbm>>
      tpu.wait_dma2 semaphore(%run_scoped3A : memref<!tpu.dma_semaphore, #tpu.memory_space<semaphore_mem>>) src(%dma_wait3A_350 : memref<8x512xi32, #tpu.memory_space<hbm>>) dst(%arg5 : memref<8x512xi32, #tpu.memory_space<vmem>>)
      tpu.yield
    }) : () -> ()
    %dma_start3A = arith.constant 0 : i32
    %dma_start3A_1 = arith.constant 0 : i32
    %dma_start3A_2 = tpu.memref_slice %arg5[%dma_start3A, %dma_start3A_1] : memref<8x512xi32, #tpu.memory_space<vmem>> -> memref<1x128xi32, #tpu.memory_space<vmem>>
    %dma_start3A_3 = tpu.memref_squeeze %dma_start3A_2 : memref<1x128xi32, #tpu.memory_space<vmem>> -> memref<128xi32, #tpu.memory_space<vmem>>
    %dma_start3A_4 = arith.constant 0 : i32
    %dma_start3A_5 = arith.constant 0 : i32
    %dma_start3A_6 = tpu.memref_slice %arg3[%dma_start3A_4, %dma_start3A_5] : memref<4096x128xf32, #tpu.memory_space<hbm>> -> memref<4096x128xf32, #tpu.memory_space<hbm>>
    tpu.enqueue_indirect_dma source(%dma_start3A_6 : memref<4096x128xf32, #tpu.memory_space<hbm>>) target(%arg6 : memref<128x128xf32, #tpu.memory_space<vmem>>) offsets(%dma_start3A_3 : memref<128xi32, #tpu.memory_space<vmem>>) semaphore(%arg10 : memref<!tpu.dma_semaphore, #tpu.memory_space<semaphore_mem>>)
    %dma_start3A_7 = arith.constant 0 : i32
    %dma_start3A_8 = arith.constant 128 : i32
    %dma_start3A_9 = tpu.memref_slice %arg5[%dma_start3A_7, %dma_start3A_8] : memref<8x512xi32, #tpu.memory_space<vmem>> -> memref<1x128xi32, #tpu.memory_space<vmem>>
    %dma_start3A_10 = tpu.memref_squeeze %dma_start3A_9 : memref<1x128xi32, #tpu.memory_space<vmem>> -> memref<128xi32, #tpu.memory_space<vmem>>
    %dma_start3A_11 = arith.constant 0 : i32
    %dma_start3A_12 = arith.constant 0 : i32
    %dma_start3A_13 = tpu.memref_slice %arg3[%dma_start3A_11, %dma_start3A_12] : memref<4096x128xf32, #tpu.memory_space<hbm>> -> memref<4096x128xf32, #tpu.memory_space<hbm>>
    tpu.enqueue_indirect_dma source(%dma_start3A_13 : memref<4096x128xf32, #tpu.memory_space<hbm>>) target(%arg7 : memref<128x128xf32, #tpu.memory_space<vmem>>) offsets(%dma_start3A_10 : memref<128xi32, #tpu.memory_space<vmem>>) semaphore(%arg11 : memref<!tpu.dma_semaphore, #tpu.memory_space<semaphore_mem>>)
    %dma_start3A_14 = arith.constant 0 : i32
    %dma_start3A_15 = arith.constant 256 : i32
    %dma_start3A_16 = tpu.memref_slice %arg5[%dma_start3A_14, %dma_start3A_15] : memref<8x512xi32, #tpu.memory_space<vmem>> -> memref<1x128xi32, #tpu.memory_space<vmem>>
    %dma_start3A_17 = tpu.memref_squeeze %dma_start3A_16 : memref<1x128xi32, #tpu.memory_space<vmem>> -> memref<128xi32, #tpu.memory_space<vmem>>
    %dma_start3A_18 = arith.constant 0 : i32
    %dma_start3A_19 = arith.constant 0 : i32
    %dma_start3A_20 = tpu.memref_slice %arg3[%dma_start3A_18, %dma_start3A_19] : memref<4096x128xf32, #tpu.memory_space<hbm>> -> memref<4096x128xf32, #tpu.memory_space<hbm>>
    tpu.enqueue_indirect_dma source(%dma_start3A_20 : memref<4096x128xf32, #tpu.memory_space<hbm>>) target(%arg8 : memref<128x128xf32, #tpu.memory_space<vmem>>) offsets(%dma_start3A_17 : memref<128xi32, #tpu.memory_space<vmem>>) semaphore(%arg12 : memref<!tpu.dma_semaphore, #tpu.memory_space<semaphore_mem>>)
    %dma_wait3A = arith.constant 0 : i32
    %dma_wait3A_21 = arith.constant 0 : i32
    %dma_wait3A_22 = tpu.memref_slice %arg5[%dma_wait3A, %dma_wait3A_21] : memref<8x512xi32, #tpu.memory_space<vmem>> -> memref<1x128xi32, #tpu.memory_space<vmem>>
    %dma_wait3A_23 = tpu.memref_squeeze %dma_wait3A_22 : memref<1x128xi32, #tpu.memory_space<vmem>> -> memref<128xi32, #tpu.memory_space<vmem>>
    %dma_wait3A_24 = arith.constant 0 : i32
    %dma_wait3A_25 = arith.constant 0 : i32
    %dma_wait3A_26 = tpu.memref_slice %arg3[%dma_wait3A_24, %dma_wait3A_25] : memref<4096x128xf32, #tpu.memory_space<hbm>> -> memref<4096x128xf32, #tpu.memory_space<hbm>>
    tpu.wait_indirect_dma semaphore(%arg10 : memref<!tpu.dma_semaphore, #tpu.memory_space<semaphore_mem>>) src(%dma_wait3A_26 : memref<4096x128xf32, #tpu.memory_space<hbm>>) dst(%arg6 : memref<128x128xf32, #tpu.memory_space<vmem>>)
    %mul3A_27 = arith.constant 512 : i32
    %mul3A_28 = arith.muli %add3A, %mul3A_27 : i32
    %add3A_29 = arith.constant 0 : i32
    %add3A_30 = arith.addi %add3A_29, %mul3A_28 : i32
    %add3A_31 = arith.constant 0 : i32
    %add3A_32 = arith.addi %add3A_30, %add3A_31 : i32
    %dma_start3A_33 = arith.constant 0 : i32
    %dma_start3A_34 = tpu.memref_slice %arg4[%add3A_32, %dma_start3A_33] : memref<49152x128xf32, #tpu.memory_space<hbm>> -> memref<128x128xf32, #tpu.memory_space<hbm>>
    %dma_start3A_35 = arith.constant 0 : i32
    %dma_start3A_36 = tpu.memref_slice %arg4[%add3A_32, %dma_start3A_35] : memref<49152x128xf32, #tpu.memory_space<hbm>> -> memref<128x128xf32, #tpu.memory_space<hbm>>
    tpu.enqueue_dma source(%arg6 : memref<128x128xf32, #tpu.memory_space<vmem>>) target(%dma_start3A_36 : memref<128x128xf32, #tpu.memory_space<hbm>>) target_semaphore(%arg14 : memref<!tpu.dma_semaphore, #tpu.memory_space<semaphore_mem>>)
    %dma_start3A_37 = arith.constant 0 : i32
    %dma_start3A_38 = arith.constant 384 : i32
    %dma_start3A_39 = tpu.memref_slice %arg5[%dma_start3A_37, %dma_start3A_38] : memref<8x512xi32, #tpu.memory_space<vmem>> -> memref<1x128xi32, #tpu.memory_space<vmem>>
    %dma_start3A_40 = tpu.memref_squeeze %dma_start3A_39 : memref<1x128xi32, #tpu.memory_space<vmem>> -> memref<128xi32, #tpu.memory_space<vmem>>
    %dma_start3A_41 = arith.constant 0 : i32
    %dma_start3A_42 = arith.constant 0 : i32
    %dma_start3A_43 = tpu.memref_slice %arg3[%dma_start3A_41, %dma_start3A_42] : memref<4096x128xf32, #tpu.memory_space<hbm>> -> memref<4096x128xf32, #tpu.memory_space<hbm>>
    tpu.enqueue_indirect_dma source(%dma_start3A_43 : memref<4096x128xf32, #tpu.memory_space<hbm>>) target(%arg9 : memref<128x128xf32, #tpu.memory_space<vmem>>) offsets(%dma_start3A_40 : memref<128xi32, #tpu.memory_space<vmem>>) semaphore(%arg13 : memref<!tpu.dma_semaphore, #tpu.memory_space<semaphore_mem>>)
    %dma_wait3A_44 = arith.constant 0 : i32
    %dma_wait3A_45 = arith.constant 128 : i32
    %dma_wait3A_46 = tpu.memref_slice %arg5[%dma_wait3A_44, %dma_wait3A_45] : memref<8x512xi32, #tpu.memory_space<vmem>> -> memref<1x128xi32, #tpu.memory_space<vmem>>
    %dma_wait3A_47 = tpu.memref_squeeze %dma_wait3A_46 : memref<1x128xi32, #tpu.memory_space<vmem>> -> memref<128xi32, #tpu.memory_space<vmem>>
    %dma_wait3A_48 = arith.constant 0 : i32
    %dma_wait3A_49 = arith.constant 0 : i32
    %dma_wait3A_50 = tpu.memref_slice %arg3[%dma_wait3A_48, %dma_wait3A_49] : memref<4096x128xf32, #tpu.memory_space<hbm>> -> memref<4096x128xf32, #tpu.memory_space<hbm>>
    tpu.wait_indirect_dma semaphore(%arg11 : memref<!tpu.dma_semaphore, #tpu.memory_space<semaphore_mem>>) src(%dma_wait3A_50 : memref<4096x128xf32, #tpu.memory_space<hbm>>) dst(%arg7 : memref<128x128xf32, #tpu.memory_space<vmem>>)
    %mul3A_51 = arith.constant 512 : i32
    %mul3A_52 = arith.muli %add3A, %mul3A_51 : i32
    %add3A_53 = arith.constant 0 : i32
    %add3A_54 = arith.addi %add3A_53, %mul3A_52 : i32
    %add3A_55 = arith.constant 128 : i32
    %add3A_56 = arith.addi %add3A_54, %add3A_55 : i32
    %dma_start3A_57 = arith.constant 0 : i32
    %dma_start3A_58 = tpu.memref_slice %arg4[%add3A_56, %dma_start3A_57] : memref<49152x128xf32, #tpu.memory_space<hbm>> -> memref<128x128xf32, #tpu.memory_space<hbm>>
    %dma_start3A_59 = arith.constant 0 : i32
    %dma_start3A_60 = tpu.memref_slice %arg4[%add3A_56, %dma_start3A_59] : memref<49152x128xf32, #tpu.memory_space<hbm>> -> memref<128x128xf32, #tpu.memory_space<hbm>>
    tpu.enqueue_dma source(%arg7 : memref<128x128xf32, #tpu.memory_space<vmem>>) target(%dma_start3A_60 : memref<128x128xf32, #tpu.memory_space<hbm>>) target_semaphore(%arg15 : memref<!tpu.dma_semaphore, #tpu.memory_space<semaphore_mem>>)
    %dma_wait3A_61 = arith.constant 0 : i32
    %dma_wait3A_62 = tpu.memref_slice %arg4[%add3A_32, %dma_wait3A_61] : memref<49152x128xf32, #tpu.memory_space<hbm>> -> memref<128x128xf32, #tpu.memory_space<hbm>>
    %dma_wait3A_63 = arith.constant 0 : i32
    %dma_wait3A_64 = tpu.memref_slice %arg4[%add3A_32, %dma_wait3A_63] : memref<49152x128xf32, #tpu.memory_space<hbm>> -> memref<128x128xf32, #tpu.memory_space<hbm>>
    tpu.wait_dma2 semaphore(%arg14 : memref<!tpu.dma_semaphore, #tpu.memory_space<semaphore_mem>>) src(%arg6 : memref<128x128xf32, #tpu.memory_space<vmem>>) dst(%dma_wait3A_64 : memref<128x128xf32, #tpu.memory_space<hbm>>)
    %dma_start3A_65 = arith.constant 1 : i32
    %dma_start3A_66 = arith.constant 0 : i32
    %dma_start3A_67 = tpu.memref_slice %arg5[%dma_start3A_65, %dma_start3A_66] : memref<8x512xi32, #tpu.memory_space<vmem>> -> memref<1x128xi32, #tpu.memory_space<vmem>>
    %dma_start3A_68 = tpu.memref_squeeze %dma_start3A_67 : memref<1x128xi32, #tpu.memory_space<vmem>> -> memref<128xi32, #tpu.memory_space<vmem>>
    %dma_start3A_69 = arith.constant 0 : i32
    %dma_start3A_70 = arith.constant 0 : i32
    %dma_start3A_71 = tpu.memref_slice %arg3[%dma_start3A_69, %dma_start3A_70] : memref<4096x128xf32, #tpu.memory_space<hbm>> -> memref<4096x128xf32, #tpu.memory_space<hbm>>
    tpu.enqueue_indirect_dma source(%dma_start3A_71 : memref<4096x128xf32, #tpu.memory_space<hbm>>) target(%arg6 : memref<128x128xf32, #tpu.memory_space<vmem>>) offsets(%dma_start3A_68 : memref<128xi32, #tpu.memory_space<vmem>>) semaphore(%arg10 : memref<!tpu.dma_semaphore, #tpu.memory_space<semaphore_mem>>)
    %dma_wait3A_72 = arith.constant 0 : i32
    %dma_wait3A_73 = arith.constant 256 : i32
    %dma_wait3A_74 = tpu.memref_slice %arg5[%dma_wait3A_72, %dma_wait3A_73] : memref<8x512xi32, #tpu.memory_space<vmem>> -> memref<1x128xi32, #tpu.memory_space<vmem>>
    %dma_wait3A_75 = tpu.memref_squeeze %dma_wait3A_74 : memref<1x128xi32, #tpu.memory_space<vmem>> -> memref<128xi32, #tpu.memory_space<vmem>>
    %dma_wait3A_76 = arith.constant 0 : i32
    %dma_wait3A_77 = arith.constant 0 : i32
    %dma_wait3A_78 = tpu.memref_slice %arg3[%dma_wait3A_76, %dma_wait3A_77] : memref<4096x128xf32, #tpu.memory_space<hbm>> -> memref<4096x128xf32, #tpu.memory_space<hbm>>
    tpu.wait_indirect_dma semaphore(%arg12 : memref<!tpu.dma_semaphore, #tpu.memory_space<semaphore_mem>>) src(%dma_wait3A_78 : memref<4096x128xf32, #tpu.memory_space<hbm>>) dst(%arg8 : memref<128x128xf32, #tpu.memory_space<vmem>>)
    %mul3A_79 = arith.constant 512 : i32
    %mul3A_80 = arith.muli %add3A, %mul3A_79 : i32
    %add3A_81 = arith.constant 0 : i32
    %add3A_82 = arith.addi %add3A_81, %mul3A_80 : i32
    %add3A_83 = arith.constant 256 : i32
    %add3A_84 = arith.addi %add3A_82, %add3A_83 : i32
    %dma_start3A_85 = arith.constant 0 : i32
    %dma_start3A_86 = tpu.memref_slice %arg4[%add3A_84, %dma_start3A_85] : memref<49152x128xf32, #tpu.memory_space<hbm>> -> memref<128x128xf32, #tpu.memory_space<hbm>>
    %dma_start3A_87 = arith.constant 0 : i32
    %dma_start3A_88 = tpu.memref_slice %arg4[%add3A_84, %dma_start3A_87] : memref<49152x128xf32, #tpu.memory_space<hbm>> -> memref<128x128xf32, #tpu.memory_space<hbm>>
    tpu.enqueue_dma source(%arg8 : memref<128x128xf32, #tpu.memory_space<vmem>>) target(%dma_start3A_88 : memref<128x128xf32, #tpu.memory_space<hbm>>) target_semaphore(%arg16 : memref<!tpu.dma_semaphore, #tpu.memory_space<semaphore_mem>>)
    %dma_wait3A_89 = arith.constant 0 : i32
    %dma_wait3A_90 = tpu.memref_slice %arg4[%add3A_56, %dma_wait3A_89] : memref<49152x128xf32, #tpu.memory_space<hbm>> -> memref<128x128xf32, #tpu.memory_space<hbm>>
    %dma_wait3A_91 = arith.constant 0 : i32
    %dma_wait3A_92 = tpu.memref_slice %arg4[%add3A_56, %dma_wait3A_91] : memref<49152x128xf32, #tpu.memory_space<hbm>> -> memref<128x128xf32, #tpu.memory_space<hbm>>
    tpu.wait_dma2 semaphore(%arg15 : memref<!tpu.dma_semaphore, #tpu.memory_space<semaphore_mem>>) src(%arg7 : memref<128x128xf32, #tpu.memory_space<vmem>>) dst(%dma_wait3A_92 : memref<128x128xf32, #tpu.memory_space<hbm>>)
    %dma_start3A_93 = arith.constant 1 : i32
    %dma_start3A_94 = arith.constant 128 : i32
    %dma_start3A_95 = tpu.memref_slice %arg5[%dma_start3A_93, %dma_start3A_94] : memref<8x512xi32, #tpu.memory_space<vmem>> -> memref<1x128xi32, #tpu.memory_space<vmem>>
    %dma_start3A_96 = tpu.memref_squeeze %dma_start3A_95 : memref<1x128xi32, #tpu.memory_space<vmem>> -> memref<128xi32, #tpu.memory_space<vmem>>
    %dma_start3A_97 = arith.constant 0 : i32
    %dma_start3A_98 = arith.constant 0 : i32
    %dma_start3A_99 = tpu.memref_slice %arg3[%dma_start3A_97, %dma_start3A_98] : memref<4096x128xf32, #tpu.memory_space<hbm>> -> memref<4096x128xf32, #tpu.memory_space<hbm>>
    tpu.enqueue_indirect_dma source(%dma_start3A_99 : memref<4096x128xf32, #tpu.memory_space<hbm>>) target(%arg7 : memref<128x128xf32, #tpu.memory_space<vmem>>) offsets(%dma_start3A_96 : memref<128xi32, #tpu.memory_space<vmem>>) semaphore(%arg11 : memref<!tpu.dma_semaphore, #tpu.memory_space<semaphore_mem>>)
    %dma_wait3A_100 = arith.constant 0 : i32
    %dma_wait3A_101 = arith.constant 384 : i32
    %dma_wait3A_102 = tpu.memref_slice %arg5[%dma_wait3A_100, %dma_wait3A_101] : memref<8x512xi32, #tpu.memory_space<vmem>> -> memref<1x128xi32, #tpu.memory_space<vmem>>
    %dma_wait3A_103 = tpu.memref_squeeze %dma_wait3A_102 : memref<1x128xi32, #tpu.memory_space<vmem>> -> memref<128xi32, #tpu.memory_space<vmem>>
    %dma_wait3A_104 = arith.constant 0 : i32
    %dma_wait3A_105 = arith.constant 0 : i32
    %dma_wait3A_106 = tpu.memref_slice %arg3[%dma_wait3A_104, %dma_wait3A_105] : memref<4096x128xf32, #tpu.memory_space<hbm>> -> memref<4096x128xf32, #tpu.memory_space<hbm>>
    tpu.wait_indirect_dma semaphore(%arg13 : memref<!tpu.dma_semaphore, #tpu.memory_space<semaphore_mem>>) src(%dma_wait3A_106 : memref<4096x128xf32, #tpu.memory_space<hbm>>) dst(%arg9 : memref<128x128xf32, #tpu.memory_space<vmem>>)
    %mul3A_107 = arith.constant 512 : i32
    %mul3A_108 = arith.muli %add3A, %mul3A_107 : i32
    %add3A_109 = arith.constant 0 : i32
    %add3A_110 = arith.addi %add3A_109, %mul3A_108 : i32
    %add3A_111 = arith.constant 384 : i32
    %add3A_112 = arith.addi %add3A_110, %add3A_111 : i32
    %dma_start3A_113 = arith.constant 0 : i32
    %dma_start3A_114 = tpu.memref_slice %arg4[%add3A_112, %dma_start3A_113] : memref<49152x128xf32, #tpu.memory_space<hbm>> -> memref<128x128xf32, #tpu.memory_space<hbm>>
    %dma_start3A_115 = arith.constant 0 : i32
    %dma_start3A_116 = tpu.memref_slice %arg4[%add3A_112, %dma_start3A_115] : memref<49152x128xf32, #tpu.memory_space<hbm>> -> memref<128x128xf32, #tpu.memory_space<hbm>>
    tpu.enqueue_dma source(%arg9 : memref<128x128xf32, #tpu.memory_space<vmem>>) target(%dma_start3A_116 : memref<128x128xf32, #tpu.memory_space<hbm>>) target_semaphore(%arg17 : memref<!tpu.dma_semaphore, #tpu.memory_space<semaphore_mem>>)
    %dma_wait3A_117 = arith.constant 0 : i32
    %dma_wait3A_118 = tpu.memref_slice %arg4[%add3A_84, %dma_wait3A_117] : memref<49152x128xf32, #tpu.memory_space<hbm>> -> memref<128x128xf32, #tpu.memory_space<hbm>>
    %dma_wait3A_119 = arith.constant 0 : i32
    %dma_wait3A_120 = tpu.memref_slice %arg4[%add3A_84, %dma_wait3A_119] : memref<49152x128xf32, #tpu.memory_space<hbm>> -> memref<128x128xf32, #tpu.memory_space<hbm>>
    tpu.wait_dma2 semaphore(%arg16 : memref<!tpu.dma_semaphore, #tpu.memory_space<semaphore_mem>>) src(%arg8 : memref<128x128xf32, #tpu.memory_space<vmem>>) dst(%dma_wait3A_120 : memref<128x128xf32, #tpu.memory_space<hbm>>)
    %dma_start3A_121 = arith.constant 1 : i32
    %dma_start3A_122 = arith.constant 256 : i32
    %dma_start3A_123 = tpu.memref_slice %arg5[%dma_start3A_121, %dma_start3A_122] : memref<8x512xi32, #tpu.memory_space<vmem>> -> memref<1x128xi32, #tpu.memory_space<vmem>>
    %dma_start3A_124 = tpu.memref_squeeze %dma_start3A_123 : memref<1x128xi32, #tpu.memory_space<vmem>> -> memref<128xi32, #tpu.memory_space<vmem>>
    %dma_start3A_125 = arith.constant 0 : i32
    %dma_start3A_126 = arith.constant 0 : i32
    %dma_start3A_127 = tpu.memref_slice %arg3[%dma_start3A_125, %dma_start3A_126] : memref<4096x128xf32, #tpu.memory_space<hbm>> -> memref<4096x128xf32, #tpu.memory_space<hbm>>
    tpu.enqueue_indirect_dma source(%dma_start3A_127 : memref<4096x128xf32, #tpu.memory_space<hbm>>) target(%arg8 : memref<128x128xf32, #tpu.memory_space<vmem>>) offsets(%dma_start3A_124 : memref<128xi32, #tpu.memory_space<vmem>>) semaphore(%arg12 : memref<!tpu.dma_semaphore, #tpu.memory_space<semaphore_mem>>)
    %dma_wait3A_128 = arith.constant 1 : i32
    %dma_wait3A_129 = arith.constant 0 : i32
    %dma_wait3A_130 = tpu.memref_slice %arg5[%dma_wait3A_128, %dma_wait3A_129] : memref<8x512xi32, #tpu.memory_space<vmem>> -> memref<1x128xi32, #tpu.memory_space<vmem>>
    %dma_wait3A_131 = tpu.memref_squeeze %dma_wait3A_130 : memref<1x128xi32, #tpu.memory_space<vmem>> -> memref<128xi32, #tpu.memory_space<vmem>>
    %dma_wait3A_132 = arith.constant 0 : i32
    %dma_wait3A_133 = arith.constant 0 : i32
    %dma_wait3A_134 = tpu.memref_slice %arg3[%dma_wait3A_132, %dma_wait3A_133] : memref<4096x128xf32, #tpu.memory_space<hbm>> -> memref<4096x128xf32, #tpu.memory_space<hbm>>
    tpu.wait_indirect_dma semaphore(%arg10 : memref<!tpu.dma_semaphore, #tpu.memory_space<semaphore_mem>>) src(%dma_wait3A_134 : memref<4096x128xf32, #tpu.memory_space<hbm>>) dst(%arg6 : memref<128x128xf32, #tpu.memory_space<vmem>>)
    %mul3A_135 = arith.constant 512 : i32
    %mul3A_136 = arith.muli %add3A, %mul3A_135 : i32
    %add3A_137 = arith.constant 16384 : i32
    %add3A_138 = arith.addi %add3A_137, %mul3A_136 : i32
    %add3A_139 = arith.constant 0 : i32
    %add3A_140 = arith.addi %add3A_138, %add3A_139 : i32
    %dma_start3A_141 = arith.constant 0 : i32
    %dma_start3A_142 = tpu.memref_slice %arg4[%add3A_140, %dma_start3A_141] : memref<49152x128xf32, #tpu.memory_space<hbm>> -> memref<128x128xf32, #tpu.memory_space<hbm>>
    %dma_start3A_143 = arith.constant 0 : i32
    %dma_start3A_144 = tpu.memref_slice %arg4[%add3A_140, %dma_start3A_143] : memref<49152x128xf32, #tpu.memory_space<hbm>> -> memref<128x128xf32, #tpu.memory_space<hbm>>
    tpu.enqueue_dma source(%arg6 : memref<128x128xf32, #tpu.memory_space<vmem>>) target(%dma_start3A_144 : memref<128x128xf32, #tpu.memory_space<hbm>>) target_semaphore(%arg14 : memref<!tpu.dma_semaphore, #tpu.memory_space<semaphore_mem>>)
    %dma_wait3A_145 = arith.constant 0 : i32
    %dma_wait3A_146 = tpu.memref_slice %arg4[%add3A_112, %dma_wait3A_145] : memref<49152x128xf32, #tpu.memory_space<hbm>> -> memref<128x128xf32, #tpu.memory_space<hbm>>
    %dma_wait3A_147 = arith.constant 0 : i32
    %dma_wait3A_148 = tpu.memref_slice %arg4[%add3A_112, %dma_wait3A_147] : memref<49152x128xf32, #tpu.memory_space<hbm>> -> memref<128x128xf32, #tpu.memory_space<hbm>>
    tpu.wait_dma2 semaphore(%arg17 : memref<!tpu.dma_semaphore, #tpu.memory_space<semaphore_mem>>) src(%arg9 : memref<128x128xf32, #tpu.memory_space<vmem>>) dst(%dma_wait3A_148 : memref<128x128xf32, #tpu.memory_space<hbm>>)
    %dma_start3A_149 = arith.constant 1 : i32
    %dma_start3A_150 = arith.constant 384 : i32
    %dma_start3A_151 = tpu.memref_slice %arg5[%dma_start3A_149, %dma_start3A_150] : memref<8x512xi32, #tpu.memory_space<vmem>> -> memref<1x128xi32, #tpu.memory_space<vmem>>
    %dma_start3A_152 = tpu.memref_squeeze %dma_start3A_151 : memref<1x128xi32, #tpu.memory_space<vmem>> -> memref<128xi32, #tpu.memory_space<vmem>>
    %dma_start3A_153 = arith.constant 0 : i32
    %dma_start3A_154 = arith.constant 0 : i32
    %dma_start3A_155 = tpu.memref_slice %arg3[%dma_start3A_153, %dma_start3A_154] : memref<4096x128xf32, #tpu.memory_space<hbm>> -> memref<4096x128xf32, #tpu.memory_space<hbm>>
    tpu.enqueue_indirect_dma source(%dma_start3A_155 : memref<4096x128xf32, #tpu.memory_space<hbm>>) target(%arg9 : memref<128x128xf32, #tpu.memory_space<vmem>>) offsets(%dma_start3A_152 : memref<128xi32, #tpu.memory_space<vmem>>) semaphore(%arg13 : memref<!tpu.dma_semaphore, #tpu.memory_space<semaphore_mem>>)
    %dma_wait3A_156 = arith.constant 1 : i32
    %dma_wait3A_157 = arith.constant 128 : i32
    %dma_wait3A_158 = tpu.memref_slice %arg5[%dma_wait3A_156, %dma_wait3A_157] : memref<8x512xi32, #tpu.memory_space<vmem>> -> memref<1x128xi32, #tpu.memory_space<vmem>>
    %dma_wait3A_159 = tpu.memref_squeeze %dma_wait3A_158 : memref<1x128xi32, #tpu.memory_space<vmem>> -> memref<128xi32, #tpu.memory_space<vmem>>
    %dma_wait3A_160 = arith.constant 0 : i32
    %dma_wait3A_161 = arith.constant 0 : i32
    %dma_wait3A_162 = tpu.memref_slice %arg3[%dma_wait3A_160, %dma_wait3A_161] : memref<4096x128xf32, #tpu.memory_space<hbm>> -> memref<4096x128xf32, #tpu.memory_space<hbm>>
    tpu.wait_indirect_dma semaphore(%arg11 : memref<!tpu.dma_semaphore, #tpu.memory_space<semaphore_mem>>) src(%dma_wait3A_162 : memref<4096x128xf32, #tpu.memory_space<hbm>>) dst(%arg7 : memref<128x128xf32, #tpu.memory_space<vmem>>)
    %mul3A_163 = arith.constant 512 : i32
    %mul3A_164 = arith.muli %add3A, %mul3A_163 : i32
    %add3A_165 = arith.constant 16384 : i32
    %add3A_166 = arith.addi %add3A_165, %mul3A_164 : i32
    %add3A_167 = arith.constant 128 : i32
    %add3A_168 = arith.addi %add3A_166, %add3A_167 : i32
    %dma_start3A_169 = arith.constant 0 : i32
    %dma_start3A_170 = tpu.memref_slice %arg4[%add3A_168, %dma_start3A_169] : memref<49152x128xf32, #tpu.memory_space<hbm>> -> memref<128x128xf32, #tpu.memory_space<hbm>>
    %dma_start3A_171 = arith.constant 0 : i32
    %dma_start3A_172 = tpu.memref_slice %arg4[%add3A_168, %dma_start3A_171] : memref<49152x128xf32, #tpu.memory_space<hbm>> -> memref<128x128xf32, #tpu.memory_space<hbm>>
    tpu.enqueue_dma source(%arg7 : memref<128x128xf32, #tpu.memory_space<vmem>>) target(%dma_start3A_172 : memref<128x128xf32, #tpu.memory_space<hbm>>) target_semaphore(%arg15 : memref<!tpu.dma_semaphore, #tpu.memory_space<semaphore_mem>>)
    %dma_wait3A_173 = arith.constant 0 : i32
    %dma_wait3A_174 = tpu.memref_slice %arg4[%add3A_140, %dma_wait3A_173] : memref<49152x128xf32, #tpu.memory_space<hbm>> -> memref<128x128xf32, #tpu.memory_space<hbm>>
    %dma_wait3A_175 = arith.constant 0 : i32
    %dma_wait3A_176 = tpu.memref_slice %arg4[%add3A_140, %dma_wait3A_175] : memref<49152x128xf32, #tpu.memory_space<hbm>> -> memref<128x128xf32, #tpu.memory_space<hbm>>
    tpu.wait_dma2 semaphore(%arg14 : memref<!tpu.dma_semaphore, #tpu.memory_space<semaphore_mem>>) src(%arg6 : memref<128x128xf32, #tpu.memory_space<vmem>>) dst(%dma_wait3A_176 : memref<128x128xf32, #tpu.memory_space<hbm>>)
    %dma_start3A_177 = arith.constant 2 : i32
    %dma_start3A_178 = arith.constant 0 : i32
    %dma_start3A_179 = tpu.memref_slice %arg5[%dma_start3A_177, %dma_start3A_178] : memref<8x512xi32, #tpu.memory_space<vmem>> -> memref<1x128xi32, #tpu.memory_space<vmem>>
    %dma_start3A_180 = tpu.memref_squeeze %dma_start3A_179 : memref<1x128xi32, #tpu.memory_space<vmem>> -> memref<128xi32, #tpu.memory_space<vmem>>
    %dma_start3A_181 = arith.constant 0 : i32
    %dma_start3A_182 = arith.constant 0 : i32
    %dma_start3A_183 = tpu.memref_slice %arg3[%dma_start3A_181, %dma_start3A_182] : memref<4096x128xf32, #tpu.memory_space<hbm>> -> memref<4096x128xf32, #tpu.memory_space<hbm>>
    tpu.enqueue_indirect_dma source(%dma_start3A_183 : memref<4096x128xf32, #tpu.memory_space<hbm>>) target(%arg6 : memref<128x128xf32, #tpu.memory_space<vmem>>) offsets(%dma_start3A_180 : memref<128xi32, #tpu.memory_space<vmem>>) semaphore(%arg10 : memref<!tpu.dma_semaphore, #tpu.memory_space<semaphore_mem>>)
    %dma_wait3A_184 = arith.constant 1 : i32
    %dma_wait3A_185 = arith.constant 256 : i32
    %dma_wait3A_186 = tpu.memref_slice %arg5[%dma_wait3A_184, %dma_wait3A_185] : memref<8x512xi32, #tpu.memory_space<vmem>> -> memref<1x128xi32, #tpu.memory_space<vmem>>
    %dma_wait3A_187 = tpu.memref_squeeze %dma_wait3A_186 : memref<1x128xi32, #tpu.memory_space<vmem>> -> memref<128xi32, #tpu.memory_space<vmem>>
    %dma_wait3A_188 = arith.constant 0 : i32
    %dma_wait3A_189 = arith.constant 0 : i32
    %dma_wait3A_190 = tpu.memref_slice %arg3[%dma_wait3A_188, %dma_wait3A_189] : memref<4096x128xf32, #tpu.memory_space<hbm>> -> memref<4096x128xf32, #tpu.memory_space<hbm>>
    tpu.wait_indirect_dma semaphore(%arg12 : memref<!tpu.dma_semaphore, #tpu.memory_space<semaphore_mem>>) src(%dma_wait3A_190 : memref<4096x128xf32, #tpu.memory_space<hbm>>) dst(%arg8 : memref<128x128xf32, #tpu.memory_space<vmem>>)
    %mul3A_191 = arith.constant 512 : i32
    %mul3A_192 = arith.muli %add3A, %mul3A_191 : i32
    %add3A_193 = arith.constant 16384 : i32
    %add3A_194 = arith.addi %add3A_193, %mul3A_192 : i32
    %add3A_195 = arith.constant 256 : i32
    %add3A_196 = arith.addi %add3A_194, %add3A_195 : i32
    %dma_start3A_197 = arith.constant 0 : i32
    %dma_start3A_198 = tpu.memref_slice %arg4[%add3A_196, %dma_start3A_197] : memref<49152x128xf32, #tpu.memory_space<hbm>> -> memref<128x128xf32, #tpu.memory_space<hbm>>
    %dma_start3A_199 = arith.constant 0 : i32
    %dma_start3A_200 = tpu.memref_slice %arg4[%add3A_196, %dma_start3A_199] : memref<49152x128xf32, #tpu.memory_space<hbm>> -> memref<128x128xf32, #tpu.memory_space<hbm>>
    tpu.enqueue_dma source(%arg8 : memref<128x128xf32, #tpu.memory_space<vmem>>) target(%dma_start3A_200 : memref<128x128xf32, #tpu.memory_space<hbm>>) target_semaphore(%arg16 : memref<!tpu.dma_semaphore, #tpu.memory_space<semaphore_mem>>)
    %dma_wait3A_201 = arith.constant 0 : i32
    %dma_wait3A_202 = tpu.memref_slice %arg4[%add3A_168, %dma_wait3A_201] : memref<49152x128xf32, #tpu.memory_space<hbm>> -> memref<128x128xf32, #tpu.memory_space<hbm>>
    %dma_wait3A_203 = arith.constant 0 : i32
    %dma_wait3A_204 = tpu.memref_slice %arg4[%add3A_168, %dma_wait3A_203] : memref<49152x128xf32, #tpu.memory_space<hbm>> -> memref<128x128xf32, #tpu.memory_space<hbm>>
    tpu.wait_dma2 semaphore(%arg15 : memref<!tpu.dma_semaphore, #tpu.memory_space<semaphore_mem>>) src(%arg7 : memref<128x128xf32, #tpu.memory_space<vmem>>) dst(%dma_wait3A_204 : memref<128x128xf32, #tpu.memory_space<hbm>>)
    %dma_start3A_205 = arith.constant 2 : i32
    %dma_start3A_206 = arith.constant 128 : i32
    %dma_start3A_207 = tpu.memref_slice %arg5[%dma_start3A_205, %dma_start3A_206] : memref<8x512xi32, #tpu.memory_space<vmem>> -> memref<1x128xi32, #tpu.memory_space<vmem>>
    %dma_start3A_208 = tpu.memref_squeeze %dma_start3A_207 : memref<1x128xi32, #tpu.memory_space<vmem>> -> memref<128xi32, #tpu.memory_space<vmem>>
    %dma_start3A_209 = arith.constant 0 : i32
    %dma_start3A_210 = arith.constant 0 : i32
    %dma_start3A_211 = tpu.memref_slice %arg3[%dma_start3A_209, %dma_start3A_210] : memref<4096x128xf32, #tpu.memory_space<hbm>> -> memref<4096x128xf32, #tpu.memory_space<hbm>>
    tpu.enqueue_indirect_dma source(%dma_start3A_211 : memref<4096x128xf32, #tpu.memory_space<hbm>>) target(%arg7 : memref<128x128xf32, #tpu.memory_space<vmem>>) offsets(%dma_start3A_208 : memref<128xi32, #tpu.memory_space<vmem>>) semaphore(%arg11 : memref<!tpu.dma_semaphore, #tpu.memory_space<semaphore_mem>>)
    %dma_wait3A_212 = arith.constant 1 : i32
    %dma_wait3A_213 = arith.constant 384 : i32
    %dma_wait3A_214 = tpu.memref_slice %arg5[%dma_wait3A_212, %dma_wait3A_213] : memref<8x512xi32, #tpu.memory_space<vmem>> -> memref<1x128xi32, #tpu.memory_space<vmem>>
    %dma_wait3A_215 = tpu.memref_squeeze %dma_wait3A_214 : memref<1x128xi32, #tpu.memory_space<vmem>> -> memref<128xi32, #tpu.memory_space<vmem>>
    %dma_wait3A_216 = arith.constant 0 : i32
    %dma_wait3A_217 = arith.constant 0 : i32
    %dma_wait3A_218 = tpu.memref_slice %arg3[%dma_wait3A_216, %dma_wait3A_217] : memref<4096x128xf32, #tpu.memory_space<hbm>> -> memref<4096x128xf32, #tpu.memory_space<hbm>>
    tpu.wait_indirect_dma semaphore(%arg13 : memref<!tpu.dma_semaphore, #tpu.memory_space<semaphore_mem>>) src(%dma_wait3A_218 : memref<4096x128xf32, #tpu.memory_space<hbm>>) dst(%arg9 : memref<128x128xf32, #tpu.memory_space<vmem>>)
    %mul3A_219 = arith.constant 512 : i32
    %mul3A_220 = arith.muli %add3A, %mul3A_219 : i32
    %add3A_221 = arith.constant 16384 : i32
    %add3A_222 = arith.addi %add3A_221, %mul3A_220 : i32
    %add3A_223 = arith.constant 384 : i32
    %add3A_224 = arith.addi %add3A_222, %add3A_223 : i32
    %dma_start3A_225 = arith.constant 0 : i32
    %dma_start3A_226 = tpu.memref_slice %arg4[%add3A_224, %dma_start3A_225] : memref<49152x128xf32, #tpu.memory_space<hbm>> -> memref<128x128xf32, #tpu.memory_space<hbm>>
    %dma_start3A_227 = arith.constant 0 : i32
    %dma_start3A_228 = tpu.memref_slice %arg4[%add3A_224, %dma_start3A_227] : memref<49152x128xf32, #tpu.memory_space<hbm>> -> memref<128x128xf32, #tpu.memory_space<hbm>>
    tpu.enqueue_dma source(%arg9 : memref<128x128xf32, #tpu.memory_space<vmem>>) target(%dma_start3A_228 : memref<128x128xf32, #tpu.memory_space<hbm>>) target_semaphore(%arg17 : memref<!tpu.dma_semaphore, #tpu.memory_space<semaphore_mem>>)
    %dma_wait3A_229 = arith.constant 0 : i32
    %dma_wait3A_230 = tpu.memref_slice %arg4[%add3A_196, %dma_wait3A_229] : memref<49152x128xf32, #tpu.memory_space<hbm>> -> memref<128x128xf32, #tpu.memory_space<hbm>>
    %dma_wait3A_231 = arith.constant 0 : i32
    %dma_wait3A_232 = tpu.memref_slice %arg4[%add3A_196, %dma_wait3A_231] : memref<49152x128xf32, #tpu.memory_space<hbm>> -> memref<128x128xf32, #tpu.memory_space<hbm>>
    tpu.wait_dma2 semaphore(%arg16 : memref<!tpu.dma_semaphore, #tpu.memory_space<semaphore_mem>>) src(%arg8 : memref<128x128xf32, #tpu.memory_space<vmem>>) dst(%dma_wait3A_232 : memref<128x128xf32, #tpu.memory_space<hbm>>)
    %dma_start3A_233 = arith.constant 2 : i32
    %dma_start3A_234 = arith.constant 256 : i32
    %dma_start3A_235 = tpu.memref_slice %arg5[%dma_start3A_233, %dma_start3A_234] : memref<8x512xi32, #tpu.memory_space<vmem>> -> memref<1x128xi32, #tpu.memory_space<vmem>>
    %dma_start3A_236 = tpu.memref_squeeze %dma_start3A_235 : memref<1x128xi32, #tpu.memory_space<vmem>> -> memref<128xi32, #tpu.memory_space<vmem>>
    %dma_start3A_237 = arith.constant 0 : i32
    %dma_start3A_238 = arith.constant 0 : i32
    %dma_start3A_239 = tpu.memref_slice %arg3[%dma_start3A_237, %dma_start3A_238] : memref<4096x128xf32, #tpu.memory_space<hbm>> -> memref<4096x128xf32, #tpu.memory_space<hbm>>
    tpu.enqueue_indirect_dma source(%dma_start3A_239 : memref<4096x128xf32, #tpu.memory_space<hbm>>) target(%arg8 : memref<128x128xf32, #tpu.memory_space<vmem>>) offsets(%dma_start3A_236 : memref<128xi32, #tpu.memory_space<vmem>>) semaphore(%arg12 : memref<!tpu.dma_semaphore, #tpu.memory_space<semaphore_mem>>)
    %dma_wait3A_240 = arith.constant 2 : i32
    %dma_wait3A_241 = arith.constant 0 : i32
    %dma_wait3A_242 = tpu.memref_slice %arg5[%dma_wait3A_240, %dma_wait3A_241] : memref<8x512xi32, #tpu.memory_space<vmem>> -> memref<1x128xi32, #tpu.memory_space<vmem>>
    %dma_wait3A_243 = tpu.memref_squeeze %dma_wait3A_242 : memref<1x128xi32, #tpu.memory_space<vmem>> -> memref<128xi32, #tpu.memory_space<vmem>>
    %dma_wait3A_244 = arith.constant 0 : i32
    %dma_wait3A_245 = arith.constant 0 : i32
    %dma_wait3A_246 = tpu.memref_slice %arg3[%dma_wait3A_244, %dma_wait3A_245] : memref<4096x128xf32, #tpu.memory_space<hbm>> -> memref<4096x128xf32, #tpu.memory_space<hbm>>
    tpu.wait_indirect_dma semaphore(%arg10 : memref<!tpu.dma_semaphore, #tpu.memory_space<semaphore_mem>>) src(%dma_wait3A_246 : memref<4096x128xf32, #tpu.memory_space<hbm>>) dst(%arg6 : memref<128x128xf32, #tpu.memory_space<vmem>>)
    %mul3A_247 = arith.constant 512 : i32
    %mul3A_248 = arith.muli %add3A, %mul3A_247 : i32
    %add3A_249 = arith.constant 32768 : i32
    %add3A_250 = arith.addi %add3A_249, %mul3A_248 : i32
    %add3A_251 = arith.constant 0 : i32
    %add3A_252 = arith.addi %add3A_250, %add3A_251 : i32
    %dma_start3A_253 = arith.constant 0 : i32
    %dma_start3A_254 = tpu.memref_slice %arg4[%add3A_252, %dma_start3A_253] : memref<49152x128xf32, #tpu.memory_space<hbm>> -> memref<128x128xf32, #tpu.memory_space<hbm>>
    %dma_start3A_255 = arith.constant 0 : i32
    %dma_start3A_256 = tpu.memref_slice %arg4[%add3A_252, %dma_start3A_255] : memref<49152x128xf32, #tpu.memory_space<hbm>> -> memref<128x128xf32, #tpu.memory_space<hbm>>
    tpu.enqueue_dma source(%arg6 : memref<128x128xf32, #tpu.memory_space<vmem>>) target(%dma_start3A_256 : memref<128x128xf32, #tpu.memory_space<hbm>>) target_semaphore(%arg14 : memref<!tpu.dma_semaphore, #tpu.memory_space<semaphore_mem>>)
    %dma_wait3A_257 = arith.constant 0 : i32
    %dma_wait3A_258 = tpu.memref_slice %arg4[%add3A_224, %dma_wait3A_257] : memref<49152x128xf32, #tpu.memory_space<hbm>> -> memref<128x128xf32, #tpu.memory_space<hbm>>
    %dma_wait3A_259 = arith.constant 0 : i32
    %dma_wait3A_260 = tpu.memref_slice %arg4[%add3A_224, %dma_wait3A_259] : memref<49152x128xf32, #tpu.memory_space<hbm>> -> memref<128x128xf32, #tpu.memory_space<hbm>>
    tpu.wait_dma2 semaphore(%arg17 : memref<!tpu.dma_semaphore, #tpu.memory_space<semaphore_mem>>) src(%arg9 : memref<128x128xf32, #tpu.memory_space<vmem>>) dst(%dma_wait3A_260 : memref<128x128xf32, #tpu.memory_space<hbm>>)
    %dma_start3A_261 = arith.constant 2 : i32
    %dma_start3A_262 = arith.constant 384 : i32
    %dma_start3A_263 = tpu.memref_slice %arg5[%dma_start3A_261, %dma_start3A_262] : memref<8x512xi32, #tpu.memory_space<vmem>> -> memref<1x128xi32, #tpu.memory_space<vmem>>
    %dma_start3A_264 = tpu.memref_squeeze %dma_start3A_263 : memref<1x128xi32, #tpu.memory_space<vmem>> -> memref<128xi32, #tpu.memory_space<vmem>>
    %dma_start3A_265 = arith.constant 0 : i32
    %dma_start3A_266 = arith.constant 0 : i32
    %dma_start3A_267 = tpu.memref_slice %arg3[%dma_start3A_265, %dma_start3A_266] : memref<4096x128xf32, #tpu.memory_space<hbm>> -> memref<4096x128xf32, #tpu.memory_space<hbm>>
    tpu.enqueue_indirect_dma source(%dma_start3A_267 : memref<4096x128xf32, #tpu.memory_space<hbm>>) target(%arg9 : memref<128x128xf32, #tpu.memory_space<vmem>>) offsets(%dma_start3A_264 : memref<128xi32, #tpu.memory_space<vmem>>) semaphore(%arg13 : memref<!tpu.dma_semaphore, #tpu.memory_space<semaphore_mem>>)
    %dma_wait3A_268 = arith.constant 2 : i32
    %dma_wait3A_269 = arith.constant 128 : i32
    %dma_wait3A_270 = tpu.memref_slice %arg5[%dma_wait3A_268, %dma_wait3A_269] : memref<8x512xi32, #tpu.memory_space<vmem>> -> memref<1x128xi32, #tpu.memory_space<vmem>>
    %dma_wait3A_271 = tpu.memref_squeeze %dma_wait3A_270 : memref<1x128xi32, #tpu.memory_space<vmem>> -> memref<128xi32, #tpu.memory_space<vmem>>
    %dma_wait3A_272 = arith.constant 0 : i32
    %dma_wait3A_273 = arith.constant 0 : i32
    %dma_wait3A_274 = tpu.memref_slice %arg3[%dma_wait3A_272, %dma_wait3A_273] : memref<4096x128xf32, #tpu.memory_space<hbm>> -> memref<4096x128xf32, #tpu.memory_space<hbm>>
    tpu.wait_indirect_dma semaphore(%arg11 : memref<!tpu.dma_semaphore, #tpu.memory_space<semaphore_mem>>) src(%dma_wait3A_274 : memref<4096x128xf32, #tpu.memory_space<hbm>>) dst(%arg7 : memref<128x128xf32, #tpu.memory_space<vmem>>)
    %mul3A_275 = arith.constant 512 : i32
    %mul3A_276 = arith.muli %add3A, %mul3A_275 : i32
    %add3A_277 = arith.constant 32768 : i32
    %add3A_278 = arith.addi %add3A_277, %mul3A_276 : i32
    %add3A_279 = arith.constant 128 : i32
    %add3A_280 = arith.addi %add3A_278, %add3A_279 : i32
    %dma_start3A_281 = arith.constant 0 : i32
    %dma_start3A_282 = tpu.memref_slice %arg4[%add3A_280, %dma_start3A_281] : memref<49152x128xf32, #tpu.memory_space<hbm>> -> memref<128x128xf32, #tpu.memory_space<hbm>>
    %dma_start3A_283 = arith.constant 0 : i32
    %dma_start3A_284 = tpu.memref_slice %arg4[%add3A_280, %dma_start3A_283] : memref<49152x128xf32, #tpu.memory_space<hbm>> -> memref<128x128xf32, #tpu.memory_space<hbm>>
    tpu.enqueue_dma source(%arg7 : memref<128x128xf32, #tpu.memory_space<vmem>>) target(%dma_start3A_284 : memref<128x128xf32, #tpu.memory_space<hbm>>) target_semaphore(%arg15 : memref<!tpu.dma_semaphore, #tpu.memory_space<semaphore_mem>>)
    %dma_wait3A_285 = arith.constant 2 : i32
    %dma_wait3A_286 = arith.constant 256 : i32
    %dma_wait3A_287 = tpu.memref_slice %arg5[%dma_wait3A_285, %dma_wait3A_286] : memref<8x512xi32, #tpu.memory_space<vmem>> -> memref<1x128xi32, #tpu.memory_space<vmem>>
    %dma_wait3A_288 = tpu.memref_squeeze %dma_wait3A_287 : memref<1x128xi32, #tpu.memory_space<vmem>> -> memref<128xi32, #tpu.memory_space<vmem>>
    %dma_wait3A_289 = arith.constant 0 : i32
    %dma_wait3A_290 = arith.constant 0 : i32
    %dma_wait3A_291 = tpu.memref_slice %arg3[%dma_wait3A_289, %dma_wait3A_290] : memref<4096x128xf32, #tpu.memory_space<hbm>> -> memref<4096x128xf32, #tpu.memory_space<hbm>>
    tpu.wait_indirect_dma semaphore(%arg12 : memref<!tpu.dma_semaphore, #tpu.memory_space<semaphore_mem>>) src(%dma_wait3A_291 : memref<4096x128xf32, #tpu.memory_space<hbm>>) dst(%arg8 : memref<128x128xf32, #tpu.memory_space<vmem>>)
    %mul3A_292 = arith.constant 512 : i32
    %mul3A_293 = arith.muli %add3A, %mul3A_292 : i32
    %add3A_294 = arith.constant 32768 : i32
    %add3A_295 = arith.addi %add3A_294, %mul3A_293 : i32
    %add3A_296 = arith.constant 256 : i32
    %add3A_297 = arith.addi %add3A_295, %add3A_296 : i32
    %dma_start3A_298 = arith.constant 0 : i32
    %dma_start3A_299 = tpu.memref_slice %arg4[%add3A_297, %dma_start3A_298] : memref<49152x128xf32, #tpu.memory_space<hbm>> -> memref<128x128xf32, #tpu.memory_space<hbm>>
    %dma_start3A_300 = arith.constant 0 : i32
    %dma_start3A_301 = tpu.memref_slice %arg4[%add3A_297, %dma_start3A_300] : memref<49152x128xf32, #tpu.memory_space<hbm>> -> memref<128x128xf32, #tpu.memory_space<hbm>>
    tpu.enqueue_dma source(%arg8 : memref<128x128xf32, #tpu.memory_space<vmem>>) target(%dma_start3A_301 : memref<128x128xf32, #tpu.memory_space<hbm>>) target_semaphore(%arg16 : memref<!tpu.dma_semaphore, #tpu.memory_space<semaphore_mem>>)
    %dma_wait3A_302 = arith.constant 2 : i32
    %dma_wait3A_303 = arith.constant 384 : i32
    %dma_wait3A_304 = tpu.memref_slice %arg5[%dma_wait3A_302, %dma_wait3A_303] : memref<8x512xi32, #tpu.memory_space<vmem>> -> memref<1x128xi32, #tpu.memory_space<vmem>>
    %dma_wait3A_305 = tpu.memref_squeeze %dma_wait3A_304 : memref<1x128xi32, #tpu.memory_space<vmem>> -> memref<128xi32, #tpu.memory_space<vmem>>
    %dma_wait3A_306 = arith.constant 0 : i32
    %dma_wait3A_307 = arith.constant 0 : i32
    %dma_wait3A_308 = tpu.memref_slice %arg3[%dma_wait3A_306, %dma_wait3A_307] : memref<4096x128xf32, #tpu.memory_space<hbm>> -> memref<4096x128xf32, #tpu.memory_space<hbm>>
    tpu.wait_indirect_dma semaphore(%arg13 : memref<!tpu.dma_semaphore, #tpu.memory_space<semaphore_mem>>) src(%dma_wait3A_308 : memref<4096x128xf32, #tpu.memory_space<hbm>>) dst(%arg9 : memref<128x128xf32, #tpu.memory_space<vmem>>)
    %mul3A_309 = arith.constant 512 : i32
    %mul3A_310 = arith.muli %add3A, %mul3A_309 : i32
    %add3A_311 = arith.constant 32768 : i32
    %add3A_312 = arith.addi %add3A_311, %mul3A_310 : i32
    %add3A_313 = arith.constant 384 : i32
    %add3A_314 = arith.addi %add3A_312, %add3A_313 : i32
    %dma_start3A_315 = arith.constant 0 : i32
    %dma_start3A_316 = tpu.memref_slice %arg4[%add3A_314, %dma_start3A_315] : memref<49152x128xf32, #tpu.memory_space<hbm>> -> memref<128x128xf32, #tpu.memory_space<hbm>>
    %dma_start3A_317 = arith.constant 0 : i32
    %dma_start3A_318 = tpu.memref_slice %arg4[%add3A_314, %dma_start3A_317] : memref<49152x128xf32, #tpu.memory_space<hbm>> -> memref<128x128xf32, #tpu.memory_space<hbm>>
    tpu.enqueue_dma source(%arg9 : memref<128x128xf32, #tpu.memory_space<vmem>>) target(%dma_start3A_318 : memref<128x128xf32, #tpu.memory_space<hbm>>) target_semaphore(%arg17 : memref<!tpu.dma_semaphore, #tpu.memory_space<semaphore_mem>>)
    %dma_wait3A_319 = arith.constant 0 : i32
    %dma_wait3A_320 = tpu.memref_slice %arg4[%add3A_252, %dma_wait3A_319] : memref<49152x128xf32, #tpu.memory_space<hbm>> -> memref<128x128xf32, #tpu.memory_space<hbm>>
    %dma_wait3A_321 = arith.constant 0 : i32
    %dma_wait3A_322 = tpu.memref_slice %arg4[%add3A_252, %dma_wait3A_321] : memref<49152x128xf32, #tpu.memory_space<hbm>> -> memref<128x128xf32, #tpu.memory_space<hbm>>
    tpu.wait_dma2 semaphore(%arg14 : memref<!tpu.dma_semaphore, #tpu.memory_space<semaphore_mem>>) src(%arg6 : memref<128x128xf32, #tpu.memory_space<vmem>>) dst(%dma_wait3A_322 : memref<128x128xf32, #tpu.memory_space<hbm>>)
    %dma_wait3A_323 = arith.constant 0 : i32
    %dma_wait3A_324 = tpu.memref_slice %arg4[%add3A_280, %dma_wait3A_323] : memref<49152x128xf32, #tpu.memory_space<hbm>> -> memref<128x128xf32, #tpu.memory_space<hbm>>
    %dma_wait3A_325 = arith.constant 0 : i32
    %dma_wait3A_326 = tpu.memref_slice %arg4[%add3A_280, %dma_wait3A_325] : memref<49152x128xf32, #tpu.memory_space<hbm>> -> memref<128x128xf32, #tpu.memory_space<hbm>>
    tpu.wait_dma2 semaphore(%arg15 : memref<!tpu.dma_semaphore, #tpu.memory_space<semaphore_mem>>) src(%arg7 : memref<128x128xf32, #tpu.memory_space<vmem>>) dst(%dma_wait3A_326 : memref<128x128xf32, #tpu.memory_space<hbm>>)
    %dma_wait3A_327 = arith.constant 0 : i32
    %dma_wait3A_328 = tpu.memref_slice %arg4[%add3A_297, %dma_wait3A_327] : memref<49152x128xf32, #tpu.memory_space<hbm>> -> memref<128x128xf32, #tpu.memory_space<hbm>>
    %dma_wait3A_329 = arith.constant 0 : i32
    %dma_wait3A_330 = tpu.memref_slice %arg4[%add3A_297, %dma_wait3A_329] : memref<49152x128xf32, #tpu.memory_space<hbm>> -> memref<128x128xf32, #tpu.memory_space<hbm>>
    tpu.wait_dma2 semaphore(%arg16 : memref<!tpu.dma_semaphore, #tpu.memory_space<semaphore_mem>>) src(%arg8 : memref<128x128xf32, #tpu.memory_space<vmem>>) dst(%dma_wait3A_330 : memref<128x128xf32, #tpu.memory_space<hbm>>)
    %dma_wait3A_331 = arith.constant 0 : i32
    %dma_wait3A_332 = tpu.memref_slice %arg4[%add3A_314, %dma_wait3A_331] : memref<49152x128xf32, #tpu.memory_space<hbm>> -> memref<128x128xf32, #tpu.memory_space<hbm>>
    %dma_wait3A_333 = arith.constant 0 : i32
    %dma_wait3A_334 = tpu.memref_slice %arg4[%add3A_314, %dma_wait3A_333] : memref<49152x128xf32, #tpu.memory_space<hbm>> -> memref<128x128xf32, #tpu.memory_space<hbm>>
    tpu.wait_dma2 semaphore(%arg17 : memref<!tpu.dma_semaphore, #tpu.memory_space<semaphore_mem>>) src(%arg9 : memref<128x128xf32, #tpu.memory_space<vmem>>) dst(%dma_wait3A_334 : memref<128x128xf32, #tpu.memory_space<hbm>>)
    return
  }
}

module attributes {stable_mosaic.version = 14 : i64} {
  func.func @_knn_body(%arg0: i32, %arg1: memref<512x3xf32, #tpu.memory_space<vmem>>, %arg2: memref<1x8x2048xf32, #tpu.memory_space<vmem>>, %arg3: memref<1x8x512xi32, #tpu.memory_space<vmem>>, %arg4: memref<512x8xf32, #tpu.memory_space<vmem>>) attributes {dimension_semantics = [#tpu.dimension_semantics<arbitrary>], iteration_bounds = array<i64: 32>, scalar_prefetch = 0 : i64, scratch_operands = 0 : i64, tpu.core_type = #tpu.core_type<tc>, window_params = [{transform_indices = @transform_0, window_bounds = array<i64: 512, 3>}, {transform_indices = @transform_1, window_bounds = array<i64: 1, 8, 2048>}, {transform_indices = @transform_2, window_bounds = array<i64: 1, 8, 512>}, {transform_indices = @transform_3, window_bounds = array<i64: 512, 8>}]} {
    %get3A = arith.constant 0 : index
    %get3A_0 = arith.constant 0 : index
    %get3A_1 = vector.load %arg1[%get3A, %get3A_0] : memref<512x3xf32, #tpu.memory_space<vmem>>, vector<512x3xf32>
    %get3A_2 = arith.constant 0 : index
    %get3A_3 = arith.constant 0 : index
    %get3A_4 = arith.constant 0 : index
    %get3A_5 = vector.load %arg2[%get3A_2, %get3A_3, %get3A_4] : memref<1x8x2048xf32, #tpu.memory_space<vmem>>, vector<1x3x2048xf32>
    %get3A_6 = vector.shape_cast %get3A_5 : vector<1x3x2048xf32> to vector<3x2048xf32>
    %mul3A = arith.mulf %get3A_1, %get3A_1 : vector<512x3xf32>
    %reduce_sum3A = arith.constant dense<0.000000e+00> : vector<512xf32>
    %reduce_sum3A_7 = vector.multi_reduction <add>, %mul3A, %reduce_sum3A [1] : vector<512x3xf32> to vector<512xf32>
    %broadcast_in_dim3A = vector.shape_cast %reduce_sum3A_7 : vector<512xf32> to vector<512x1xf32>
    %mul3A_8 = arith.mulf %get3A_6, %get3A_6 : vector<3x2048xf32>
    %reduce_sum3A_9 = arith.constant dense<0.000000e+00> : vector<2048xf32>
    %reduce_sum3A_10 = vector.multi_reduction <add>, %mul3A_8, %reduce_sum3A_9 [0] : vector<3x2048xf32> to vector<2048xf32>
    %broadcast_in_dim3A_11 = vector.shape_cast %reduce_sum3A_10 : vector<2048xf32> to vector<1x2048xf32>
    %add3A = vector.broadcast %broadcast_in_dim3A : vector<512x1xf32> to vector<512x2048xf32>
    %add3A_12 = vector.broadcast %broadcast_in_dim3A_11 : vector<1x2048xf32> to vector<512x2048xf32>
    %add3A_13 = arith.addf %add3A, %add3A_12 : vector<512x2048xf32>
    %mul3A_14 = arith.constant -2.000000e+00 : f32
    %mul3A_15 = vector.broadcast %mul3A_14 : f32 to vector<512x3xf32>
    %mul3A_16 = arith.mulf %get3A_1, %mul3A_15 : vector<512x3xf32>
    %convert_element_type3A = arith.truncf %mul3A_16 : vector<512x3xf32> to vector<512x3xbf16>
    %convert_element_type3A_17 = arith.truncf %get3A_6 : vector<3x2048xf32> to vector<3x2048xbf16>
    %dot_general3A = arith.constant dense<0.000000e+00> : vector<512x2048xf32>
    %dot_general3A_18 = tpu.matmul %convert_element_type3A, %convert_element_type3A_17, %dot_general3A {dimension_numbers = #tpu.dot_dimension_numbers<[1], [0], [0], [1], [0, 0, 1, 1], [], []>, transpose_lhs_hint = false} : vector<512x3xbf16>, vector<3x2048xbf16>, vector<512x2048xf32> -> vector<512x2048xf32>
    %add3A_19 = arith.addf %add3A_13, %dot_general3A_18 : vector<512x2048xf32>
    %iota3A = tpu.iota {dimensions = array<i32: 1>} : vector<512x2048xi32>
    %convert_element_type3A_20 = arith.sitofp %iota3A : vector<512x2048xi32> to vector<512x2048xf32>
    %reduce_min3A = arith.constant dense<0x7F800000> : vector<512xf32>
    %reduce_min3A_21 = vector.multi_reduction <minimumf>, %add3A_19, %reduce_min3A [1] : vector<512x2048xf32> to vector<512xf32>
    %broadcast_in_dim3A_22 = vector.shape_cast %reduce_min3A_21 : vector<512xf32> to vector<512x1xf32>
    %eq3A = vector.broadcast %broadcast_in_dim3A_22 : vector<512x1xf32> to vector<512x2048xf32>
    %eq3A_23 = arith.cmpf oeq, %add3A_19, %eq3A : vector<512x2048xf32>
    %jit3A = arith.constant 2.048000e+03 : f32
    %broadcast_in_dim3A_24 = vector.broadcast %jit3A : f32 to vector<512x2048xf32>
    %select_n3A = arith.select %eq3A_23, %convert_element_type3A_20, %broadcast_in_dim3A_24 : vector<512x2048xi1>, vector<512x2048xf32>
    %reduce_min3A_25 = arith.constant dense<0x7F800000> : vector<512xf32>
    %reduce_min3A_26 = vector.multi_reduction <minimumf>, %select_n3A, %reduce_min3A_25 [1] : vector<512x2048xf32> to vector<512xf32>
    %broadcast_in_dim3A_27 = vector.shape_cast %reduce_min3A_26 : vector<512xf32> to vector<512x1xf32>
    %eq3A_28 = vector.broadcast %broadcast_in_dim3A_27 : vector<512x1xf32> to vector<512x2048xf32>
    %eq3A_29 = arith.cmpf oeq, %convert_element_type3A_20, %eq3A_28 : vector<512x2048xf32>
    %jit3A_30 = arith.constant 3.400000e+38 : f32
    %broadcast_in_dim3A_31 = vector.broadcast %jit3A_30 : f32 to vector<512x2048xf32>
    %select_n3A_32 = arith.select %eq3A_29, %broadcast_in_dim3A_31, %add3A_19 : vector<512x2048xi1>, vector<512x2048xf32>
    %reduce_min3A_33 = arith.constant dense<0x7F800000> : vector<512xf32>
    %reduce_min3A_34 = vector.multi_reduction <minimumf>, %select_n3A_32, %reduce_min3A_33 [1] : vector<512x2048xf32> to vector<512xf32>
    %broadcast_in_dim3A_35 = vector.shape_cast %reduce_min3A_34 : vector<512xf32> to vector<512x1xf32>
    %eq3A_36 = vector.broadcast %broadcast_in_dim3A_35 : vector<512x1xf32> to vector<512x2048xf32>
    %eq3A_37 = arith.cmpf oeq, %select_n3A_32, %eq3A_36 : vector<512x2048xf32>
    %jit3A_38 = arith.constant 2.048000e+03 : f32
    %broadcast_in_dim3A_39 = vector.broadcast %jit3A_38 : f32 to vector<512x2048xf32>
    %select_n3A_40 = arith.select %eq3A_37, %convert_element_type3A_20, %broadcast_in_dim3A_39 : vector<512x2048xi1>, vector<512x2048xf32>
    %reduce_min3A_41 = arith.constant dense<0x7F800000> : vector<512xf32>
    %reduce_min3A_42 = vector.multi_reduction <minimumf>, %select_n3A_40, %reduce_min3A_41 [1] : vector<512x2048xf32> to vector<512xf32>
    %broadcast_in_dim3A_43 = vector.shape_cast %reduce_min3A_42 : vector<512xf32> to vector<512x1xf32>
    %eq3A_44 = vector.broadcast %broadcast_in_dim3A_43 : vector<512x1xf32> to vector<512x2048xf32>
    %eq3A_45 = arith.cmpf oeq, %convert_element_type3A_20, %eq3A_44 : vector<512x2048xf32>
    %jit3A_46 = arith.constant 3.400000e+38 : f32
    %broadcast_in_dim3A_47 = vector.broadcast %jit3A_46 : f32 to vector<512x2048xf32>
    %select_n3A_48 = arith.select %eq3A_45, %broadcast_in_dim3A_47, %select_n3A_32 : vector<512x2048xi1>, vector<512x2048xf32>
    %reduce_min3A_49 = arith.constant dense<0x7F800000> : vector<512xf32>
    %reduce_min3A_50 = vector.multi_reduction <minimumf>, %select_n3A_48, %reduce_min3A_49 [1] : vector<512x2048xf32> to vector<512xf32>
    %broadcast_in_dim3A_51 = vector.shape_cast %reduce_min3A_50 : vector<512xf32> to vector<512x1xf32>
    %eq3A_52 = vector.broadcast %broadcast_in_dim3A_51 : vector<512x1xf32> to vector<512x2048xf32>
    %eq3A_53 = arith.cmpf oeq, %select_n3A_48, %eq3A_52 : vector<512x2048xf32>
    %jit3A_54 = arith.constant 2.048000e+03 : f32
    %broadcast_in_dim3A_55 = vector.broadcast %jit3A_54 : f32 to vector<512x2048xf32>
    %select_n3A_56 = arith.select %eq3A_53, %convert_element_type3A_20, %broadcast_in_dim3A_55 : vector<512x2048xi1>, vector<512x2048xf32>
    %reduce_min3A_57 = arith.constant dense<0x7F800000> : vector<512xf32>
    %reduce_min3A_58 = vector.multi_reduction <minimumf>, %select_n3A_56, %reduce_min3A_57 [1] : vector<512x2048xf32> to vector<512xf32>
    %broadcast_in_dim3A_59 = vector.shape_cast %reduce_min3A_58 : vector<512xf32> to vector<512x1xf32>
    %convert_element_type3A_60 = arith.fptosi %broadcast_in_dim3A_27 : vector<512x1xf32> to vector<512x1xi32>
    %convert_element_type3A_61 = arith.fptosi %broadcast_in_dim3A_43 : vector<512x1xf32> to vector<512x1xi32>
    %convert_element_type3A_62 = arith.fptosi %broadcast_in_dim3A_59 : vector<512x1xf32> to vector<512x1xi32>
    %max3A = arith.constant 0.000000e+00 : f32
    %max3A_63 = vector.broadcast %max3A : f32 to vector<512x1xf32>
    %max3A_64 = arith.maximumf %broadcast_in_dim3A_22, %max3A_63 : vector<512x1xf32>
    %sqrt3A = math.sqrt %max3A_64 : vector<512x1xf32>
    %add3A_65 = arith.constant 9.99999993E-9 : f32
    %add3A_66 = vector.broadcast %add3A_65 : f32 to vector<512x1xf32>
    %add3A_67 = arith.addf %sqrt3A, %add3A_66 : vector<512x1xf32>
    %div3A = arith.constant 1.000000e+00 : f32
    %div3A_68 = vector.broadcast %div3A : f32 to vector<512x1xf32>
    %div3A_69 = arith.divf %div3A_68, %add3A_67 : vector<512x1xf32>
    %max3A_70 = arith.constant 0.000000e+00 : f32
    %max3A_71 = vector.broadcast %max3A_70 : f32 to vector<512x1xf32>
    %max3A_72 = arith.maximumf %broadcast_in_dim3A_35, %max3A_71 : vector<512x1xf32>
    %sqrt3A_73 = math.sqrt %max3A_72 : vector<512x1xf32>
    %add3A_74 = arith.constant 9.99999993E-9 : f32
    %add3A_75 = vector.broadcast %add3A_74 : f32 to vector<512x1xf32>
    %add3A_76 = arith.addf %sqrt3A_73, %add3A_75 : vector<512x1xf32>
    %div3A_77 = arith.constant 1.000000e+00 : f32
    %div3A_78 = vector.broadcast %div3A_77 : f32 to vector<512x1xf32>
    %div3A_79 = arith.divf %div3A_78, %add3A_76 : vector<512x1xf32>
    %max3A_80 = arith.constant 0.000000e+00 : f32
    %max3A_81 = vector.broadcast %max3A_80 : f32 to vector<512x1xf32>
    %max3A_82 = arith.maximumf %broadcast_in_dim3A_51, %max3A_81 : vector<512x1xf32>
    %sqrt3A_83 = math.sqrt %max3A_82 : vector<512x1xf32>
    %add3A_84 = arith.constant 9.99999993E-9 : f32
    %add3A_85 = vector.broadcast %add3A_84 : f32 to vector<512x1xf32>
    %add3A_86 = arith.addf %sqrt3A_83, %add3A_85 : vector<512x1xf32>
    %div3A_87 = arith.constant 1.000000e+00 : f32
    %div3A_88 = vector.broadcast %div3A_87 : f32 to vector<512x1xf32>
    %div3A_89 = arith.divf %div3A_88, %add3A_86 : vector<512x1xf32>
    %add3A_90 = arith.addf %div3A_69, %div3A_79 : vector<512x1xf32>
    %add3A_91 = arith.addf %add3A_90, %div3A_89 : vector<512x1xf32>
    %div3A_92 = arith.divf %div3A_69, %add3A_91 : vector<512x1xf32>
    %div3A_93 = arith.divf %div3A_79, %add3A_91 : vector<512x1xf32>
    %div3A_94 = arith.divf %div3A_89, %add3A_91 : vector<512x1xf32>
    %jit3A_95 = arith.constant 16 : i32
    %div3A_96 = arith.divsi %arg0, %jit3A_95 : i32
    %sign3A = arith.constant 0 : i32
    %sign3A_97 = arith.cmpi sgt, %arg0, %sign3A : i32
    %sign3A_98 = arith.extui %sign3A_97 : i1 to i32
    %sign3A_99 = arith.constant 0 : i32
    %sign3A_100 = arith.cmpi slt, %arg0, %sign3A_99 : i32
    %sign3A_101 = arith.extui %sign3A_100 : i1 to i32
    %sign3A_102 = arith.subi %sign3A_98, %sign3A_101 : i32
    %sign3A_103 = arith.constant 0 : i32
    %sign3A_104 = arith.cmpi sgt, %jit3A_95, %sign3A_103 : i32
    %sign3A_105 = arith.extui %sign3A_104 : i1 to i32
    %sign3A_106 = arith.constant 0 : i32
    %sign3A_107 = arith.cmpi slt, %jit3A_95, %sign3A_106 : i32
    %sign3A_108 = arith.extui %sign3A_107 : i1 to i32
    %sign3A_109 = arith.subi %sign3A_105, %sign3A_108 : i32
    %ne3A = arith.cmpi ne, %sign3A_102, %sign3A_109 : i32
    %rem3A = arith.remsi %arg0, %jit3A_95 : i32
    %ne3A_110 = arith.constant 0 : i32
    %ne3A_111 = arith.cmpi ne, %rem3A, %ne3A_110 : i32
    %and3A = arith.andi %ne3A, %ne3A_111 : i1
    %sub3A = arith.constant 1 : i32
    %sub3A_112 = arith.subi %div3A_96, %sub3A : i32
    %select_n3A_113 = arith.select %and3A, %sub3A_112, %div3A_96 : i32
    %mul3A_114 = arith.constant 2048 : i32
    %mul3A_115 = arith.muli %select_n3A_113, %mul3A_114 : i32
    %add3A_116 = vector.broadcast %mul3A_115 : i32 to vector<512x1xi32>
    %add3A_117 = arith.addi %convert_element_type3A_60, %add3A_116 : vector<512x1xi32>
    %add3A_118 = vector.broadcast %mul3A_115 : i32 to vector<512x1xi32>
    %add3A_119 = arith.addi %convert_element_type3A_61, %add3A_118 : vector<512x1xi32>
    %add3A_120 = vector.broadcast %mul3A_115 : i32 to vector<512x1xi32>
    %add3A_121 = arith.addi %convert_element_type3A_62, %add3A_120 : vector<512x1xi32>
    %concatenate3A = tpu.concatenate %add3A_117, %add3A_119, %add3A_121, %add3A_117, %add3A_119, %add3A_121, %add3A_117, %add3A_119 in 1 : vector<512x1xi32>, vector<512x1xi32>, vector<512x1xi32>, vector<512x1xi32>, vector<512x1xi32>, vector<512x1xi32>, vector<512x1xi32>, vector<512x1xi32> -> vector<512x8xi32>
    %transpose3A = tpu.transpose %concatenate3A, [1, 0] : vector<512x8xi32> -> vector<8x512xi32>
    %swap3A = arith.constant 0 : index
    %swap3A_122 = arith.constant 0 : index
    %swap3A_123 = arith.constant 0 : index
    %swap3A_124 = vector.load %arg3[%swap3A, %swap3A_122, %swap3A_123] : memref<1x8x512xi32, #tpu.memory_space<vmem>>, vector<1x8x512xi32>
    %swap3A_125 = vector.shape_cast %swap3A_124 : vector<1x8x512xi32> to vector<8x512xi32>
    %swap3A_126 = vector.shape_cast %transpose3A : vector<8x512xi32> to vector<1x8x512xi32>
    tpu.vector_store %arg3[%swap3A, %swap3A_122, %swap3A_123], %swap3A_126 {strides = array<i32>} : memref<1x8x512xi32, #tpu.memory_space<vmem>>, vector<1x8x512xi32>,
    %concatenate3A_127 = tpu.concatenate %div3A_92, %div3A_93, %div3A_94, %div3A_92, %div3A_93, %div3A_94, %div3A_92, %div3A_93 in 1 : vector<512x1xf32>, vector<512x1xf32>, vector<512x1xf32>, vector<512x1xf32>, vector<512x1xf32>, vector<512x1xf32>, vector<512x1xf32>, vector<512x1xf32> -> vector<512x8xf32>
    %swap3A_128 = arith.constant 0 : index
    %swap3A_129 = arith.constant 0 : index
    %swap3A_130 = vector.load %arg4[%swap3A_128, %swap3A_129] : memref<512x8xf32, #tpu.memory_space<vmem>>, vector<512x8xf32>
    tpu.vector_store %arg4[%swap3A_128, %swap3A_129], %concatenate3A_127 {strides = array<i32>} : memref<512x8xf32, #tpu.memory_space<vmem>>, vector<512x8xf32>,
    return
  }
  func.func @transform_0(%arg0: i32) -> (i32, i32) {
    %c0_i32 = arith.constant 0 : i32
    %c0_i32_0 = arith.constant 0 : i32
    return %arg0, %c0_i32 : i32, i32
  }
  func.func @transform_1(%arg0: i32) -> (i32, i32, i32) {
    %jit3A = arith.constant 16 : i32
    %div3A = arith.divsi %arg0, %jit3A : i32
    %sign3A = arith.constant 0 : i32
    %sign3A_0 = arith.cmpi sgt, %arg0, %sign3A : i32
    %sign3A_1 = arith.extui %sign3A_0 : i1 to i32
    %sign3A_2 = arith.constant 0 : i32
    %sign3A_3 = arith.cmpi slt, %arg0, %sign3A_2 : i32
    %sign3A_4 = arith.extui %sign3A_3 : i1 to i32
    %sign3A_5 = arith.subi %sign3A_1, %sign3A_4 : i32
    %sign3A_6 = arith.constant 0 : i32
    %sign3A_7 = arith.cmpi sgt, %jit3A, %sign3A_6 : i32
    %sign3A_8 = arith.extui %sign3A_7 : i1 to i32
    %sign3A_9 = arith.constant 0 : i32
    %sign3A_10 = arith.cmpi slt, %jit3A, %sign3A_9 : i32
    %sign3A_11 = arith.extui %sign3A_10 : i1 to i32
    %sign3A_12 = arith.subi %sign3A_8, %sign3A_11 : i32
    %ne3A = arith.cmpi ne, %sign3A_5, %sign3A_12 : i32
    %rem3A = arith.remsi %arg0, %jit3A : i32
    %ne3A_13 = arith.constant 0 : i32
    %ne3A_14 = arith.cmpi ne, %rem3A, %ne3A_13 : i32
    %and3A = arith.andi %ne3A, %ne3A_14 : i1
    %sub3A = arith.constant 1 : i32
    %sub3A_15 = arith.subi %div3A, %sub3A : i32
    %select_n3A = arith.select %and3A, %sub3A_15, %div3A : i32
    %c0_i32 = arith.constant 0 : i32
    %c0_i32_16 = arith.constant 0 : i32
    %c0_i32_17 = arith.constant 0 : i32
    return %select_n3A, %c0_i32, %c0_i32_16 : i32, i32, i32
  }
  func.func @transform_2(%arg0: i32) -> (i32, i32, i32) {
    %c0_i32 = arith.constant 0 : i32
    %c0_i32_0 = arith.constant 0 : i32
    %c0_i32_1 = arith.constant 0 : i32
    return %arg0, %c0_i32, %c0_i32_0 : i32, i32, i32
  }
  func.func @transform_3(%arg0: i32) -> (i32, i32) {
    %c0_i32 = arith.constant 0 : i32
    %c0_i32_0 = arith.constant 0 : i32
    return %arg0, %c0_i32 : i32, i32
  }
}

module attributes {stable_mosaic.version = 14 : i64} {
  func.func @_mlp_body(%arg0: i32, %arg1: i32, %arg2: memref<3x512x128xf32, #tpu.memory_space<vmem>>, %arg3: memref<512x8xf32, #tpu.memory_space<vmem>>, %arg4: memref<512x64xf32, #tpu.memory_space<vmem>>, %arg5: memref<192x128xf32, #tpu.memory_space<vmem>>, %arg6: memref<1x128xf32, #tpu.memory_space<vmem>>, %arg7: memref<1x128xf32, #tpu.memory_space<vmem>>, %arg8: memref<1x128xf32, #tpu.memory_space<vmem>>, %arg9: memref<128x128xf32, #tpu.memory_space<vmem>>, %arg10: memref<1x128xf32, #tpu.memory_space<vmem>>, %arg11: memref<512x128xf32, #tpu.memory_space<vmem>>, %arg12: memref<16384x128xf32, #tpu.memory_space<vmem>>, %arg13: memref<8x128xf32, #tpu.memory_space<vmem>>) attributes {dimension_semantics = [#tpu.dimension_semantics<arbitrary>, #tpu.dimension_semantics<arbitrary>], iteration_bounds = array<i64: 2, 32>, scalar_prefetch = 0 : i64, scratch_operands = 2 : i64, tpu.core_type = #tpu.core_type<tc>, window_params = [{transform_indices = @transform_0, window_bounds = array<i64: 3, 512, 128>}, {transform_indices = @transform_1, window_bounds = array<i64: 512, 8>}, {transform_indices = @transform_2, window_bounds = array<i64: 512, 64>}, {pipeline_mode = #tpu.pipeline_mode<synchronous>, transform_indices = @transform_3, window_bounds = array<i64: 192, 128>}, {pipeline_mode = #tpu.pipeline_mode<synchronous>, transform_indices = @transform_4, window_bounds = array<i64: 1, 128>}, {pipeline_mode = #tpu.pipeline_mode<synchronous>, transform_indices = @transform_5, window_bounds = array<i64: 1, 128>}, {pipeline_mode = #tpu.pipeline_mode<synchronous>, transform_indices = @transform_6, window_bounds = array<i64: 1, 128>}, {pipeline_mode = #tpu.pipeline_mode<synchronous>, transform_indices = @transform_7, window_bounds = array<i64: 128, 128>}, {pipeline_mode = #tpu.pipeline_mode<synchronous>, transform_indices = @transform_8, window_bounds = array<i64: 1, 128>}, {transform_indices = @transform_9, window_bounds = array<i64: 512, 128>}]} {
    %eq3A = arith.constant 0 : i32
    %eq3A_0 = arith.cmpi eq, %arg0, %eq3A : i32
    %convert_element_type3A = arith.extui %eq3A_0 : i1 to i32
    %cond3A = arith.constant 0 : i32
    %cond3A_1 = arith.cmpi ne, %convert_element_type3A, %cond3A : i32
    scf.if %cond3A_1 {
      %get3A = arith.constant 0 : index
      %get3A_7 = arith.constant 0 : index
      %get3A_8 = vector.load %arg3[%get3A, %get3A_7] : memref<512x8xf32, #tpu.memory_space<vmem>>, vector<512x8xf32>
      %slice3A = vector.extract_strided_slice %get3A_8 {offsets = [0, 0], sizes = [512, 1], strides = [1, 1]} : vector<512x8xf32> to vector<512x1xf32>
      %get3A_9 = arith.constant 0 : index
      %get3A_10 = arith.constant 0 : index
      %get3A_11 = arith.constant 0 : index
      %get3A_12 = vector.load %arg2[%get3A_9, %get3A_10, %get3A_11] : memref<3x512x128xf32, #tpu.memory_space<vmem>>, vector<1x512x128xf32>
      %get3A_13 = vector.shape_cast %get3A_12 : vector<1x512x128xf32> to vector<512x128xf32>
      %mul3A = vector.broadcast %slice3A : vector<512x1xf32> to vector<512x128xf32>
      %mul3A_14 = arith.mulf %mul3A, %get3A_13 : vector<512x128xf32>
      %slice3A_15 = vector.extract_strided_slice %get3A_8 {offsets = [0, 1], sizes = [512, 1], strides = [1, 1]} : vector<512x8xf32> to vector<512x1xf32>
      %get3A_16 = arith.constant 1 : index
      %get3A_17 = arith.constant 0 : index
      %get3A_18 = arith.constant 0 : index
      %get3A_19 = vector.load %arg2[%get3A_16, %get3A_17, %get3A_18] : memref<3x512x128xf32, #tpu.memory_space<vmem>>, vector<1x512x128xf32>
      %get3A_20 = vector.shape_cast %get3A_19 : vector<1x512x128xf32> to vector<512x128xf32>
      %mul3A_21 = vector.broadcast %slice3A_15 : vector<512x1xf32> to vector<512x128xf32>
      %mul3A_22 = arith.mulf %mul3A_21, %get3A_20 : vector<512x128xf32>
      %add3A = arith.addf %mul3A_14, %mul3A_22 : vector<512x128xf32>
      %slice3A_23 = vector.extract_strided_slice %get3A_8 {offsets = [0, 2], sizes = [512, 1], strides = [1, 1]} : vector<512x8xf32> to vector<512x1xf32>
      %get3A_24 = arith.constant 2 : index
      %get3A_25 = arith.constant 0 : index
      %get3A_26 = arith.constant 0 : index
      %get3A_27 = vector.load %arg2[%get3A_24, %get3A_25, %get3A_26] : memref<3x512x128xf32, #tpu.memory_space<vmem>>, vector<1x512x128xf32>
      %get3A_28 = vector.shape_cast %get3A_27 : vector<1x512x128xf32> to vector<512x128xf32>
      %mul3A_29 = vector.broadcast %slice3A_23 : vector<512x1xf32> to vector<512x128xf32>
      %mul3A_30 = arith.mulf %mul3A_29, %get3A_28 : vector<512x128xf32>
      %add3A_31 = arith.addf %add3A, %mul3A_30 : vector<512x128xf32>
      %get3A_32 = arith.constant 0 : index
      %get3A_33 = arith.constant 0 : index
      %get3A_34 = vector.load %arg4[%get3A_32, %get3A_33] : memref<512x64xf32, #tpu.memory_space<vmem>>, vector<512x64xf32>
      %get3A_35 = arith.constant 0 : index
      %get3A_36 = arith.constant 0 : index
      %get3A_37 = vector.load %arg5[%get3A_35, %get3A_36] : memref<192x128xf32, #tpu.memory_space<vmem>>, vector<64x128xf32>
      %convert_element_type3A_38 = arith.truncf %get3A_34 : vector<512x64xf32> to vector<512x64xbf16>
      %convert_element_type3A_39 = arith.truncf %get3A_37 : vector<64x128xf32> to vector<64x128xbf16>
      %dot_general3A = arith.constant dense<0.000000e+00> : vector<512x128xf32>
      %dot_general3A_40 = tpu.matmul %convert_element_type3A_38, %convert_element_type3A_39, %dot_general3A {dimension_numbers = #tpu.dot_dimension_numbers<[1], [0], [0], [1], [0, 0, 1, 1], [], []>, transpose_lhs_hint = false} : vector<512x64xbf16>, vector<64x128xbf16>, vector<512x128xf32> -> vector<512x128xf32>
      %get3A_41 = arith.constant 64 : index
      %get3A_42 = arith.constant 0 : index
      %get3A_43 = vector.load %arg5[%get3A_41, %get3A_42] : memref<192x128xf32, #tpu.memory_space<vmem>>, vector<128x128xf32>
      %convert_element_type3A_44 = arith.truncf %add3A_31 : vector<512x128xf32> to vector<512x128xbf16>
      %convert_element_type3A_45 = arith.truncf %get3A_43 : vector<128x128xf32> to vector<128x128xbf16>
      %dot_general3A_46 = arith.constant dense<0.000000e+00> : vector<512x128xf32>
      %dot_general3A_47 = tpu.matmul %convert_element_type3A_44, %convert_element_type3A_45, %dot_general3A_46 {dimension_numbers = #tpu.dot_dimension_numbers<[1], [0], [0], [1], [0, 0, 1, 1], [], []>, transpose_lhs_hint = false} : vector<512x128xbf16>, vector<128x128xbf16>, vector<512x128xf32> -> vector<512x128xf32>
      %add3A_48 = arith.addf %dot_general3A_40, %dot_general3A_47 : vector<512x128xf32>
      %get3A_49 = arith.constant 0 : index
      %get3A_50 = arith.constant 0 : index
      %get3A_51 = vector.load %arg6[%get3A_49, %get3A_50] : memref<1x128xf32, #tpu.memory_space<vmem>>, vector<1x128xf32>
      %add3A_52 = vector.broadcast %get3A_51 : vector<1x128xf32> to vector<512x128xf32>
      %add3A_53 = arith.addf %add3A_48, %add3A_52 : vector<512x128xf32>
      %mul3A_54 = arith.constant 512 : i32
      %mul3A_55 = arith.muli %arg1, %mul3A_54 : i32
      %swap3A = arith.index_cast %mul3A_55 : i32 to index
      %swap3A_56 = arith.constant 0 : index
      %swap3A_57 = vector.load %arg12[%swap3A, %swap3A_56] : memref<16384x128xf32, #tpu.memory_space<vmem>>, vector<512x128xf32>
      tpu.vector_store %arg12[%swap3A, %swap3A_56], %add3A_53 {strides = array<i32>} : memref<16384x128xf32, #tpu.memory_space<vmem>>, vector<512x128xf32>,
      %eq3A_58 = arith.constant 0 : i32
      %eq3A_59 = arith.cmpi eq, %arg1, %eq3A_58 : i32
      %convert_element_type3A_60 = arith.extui %eq3A_59 : i1 to i32
      %cond3A_61 = arith.constant 0 : i32
      %cond3A_62 = arith.cmpi ne, %convert_element_type3A_60, %cond3A_61 : i32
      scf.if %cond3A_62 {
        %broadcast_in_dim3A_82 = arith.constant 0.000000e+00 : f32
        %broadcast_in_dim3A_83 = vector.broadcast %broadcast_in_dim3A_82 : f32 to vector<8x128xf32>
        %swap3A_84 = arith.constant 0 : index
        %swap3A_85 = arith.constant 0 : index
        %swap3A_86 = vector.load %arg13[%swap3A_84, %swap3A_85] : memref<8x128xf32, #tpu.memory_space<vmem>>, vector<8x128xf32>
        tpu.vector_store %arg13[%swap3A_84, %swap3A_85], %broadcast_in_dim3A_83 {strides = array<i32>} : memref<8x128xf32, #tpu.memory_space<vmem>>, vector<8x128xf32>,
      } else {
      }
      %get3A_63 = arith.constant 0 : index
      %get3A_64 = arith.constant 0 : index
      %get3A_65 = vector.load %arg13[%get3A_63, %get3A_64] : memref<8x128xf32, #tpu.memory_space<vmem>>, vector<1x128xf32>
      %reduce_sum3A = arith.constant dense<0.000000e+00> : vector<128xf32>
      %reduce_sum3A_66 = vector.multi_reduction <add>, %add3A_53, %reduce_sum3A [0] : vector<512x128xf32> to vector<128xf32>
      %broadcast_in_dim3A = vector.shape_cast %reduce_sum3A_66 : vector<128xf32> to vector<1x128xf32>
      %add3A_67 = arith.addf %get3A_65, %broadcast_in_dim3A : vector<1x128xf32>
      %swap3A_68 = arith.constant 0 : index
      %swap3A_69 = arith.constant 0 : index
      %swap3A_70 = vector.load %arg13[%swap3A_68, %swap3A_69] : memref<8x128xf32, #tpu.memory_space<vmem>>, vector<1x128xf32>
      tpu.vector_store %arg13[%swap3A_68, %swap3A_69], %add3A_67 {strides = array<i32>} : memref<8x128xf32, #tpu.memory_space<vmem>>, vector<1x128xf32>,
      %get3A_71 = arith.constant 1 : index
      %get3A_72 = arith.constant 0 : index
      %get3A_73 = vector.load %arg13[%get3A_71, %get3A_72] : memref<8x128xf32, #tpu.memory_space<vmem>>, vector<1x128xf32>
      %mul3A_74 = arith.mulf %add3A_53, %add3A_53 : vector<512x128xf32>
      %reduce_sum3A_75 = arith.constant dense<0.000000e+00> : vector<128xf32>
      %reduce_sum3A_76 = vector.multi_reduction <add>, %mul3A_74, %reduce_sum3A_75 [0] : vector<512x128xf32> to vector<128xf32>
      %broadcast_in_dim3A_77 = vector.shape_cast %reduce_sum3A_76 : vector<128xf32> to vector<1x128xf32>
      %add3A_78 = arith.addf %get3A_73, %broadcast_in_dim3A_77 : vector<1x128xf32>
      %swap3A_79 = arith.constant 1 : index
      %swap3A_80 = arith.constant 0 : index
      %swap3A_81 = vector.load %arg13[%swap3A_79, %swap3A_80] : memref<8x128xf32, #tpu.memory_space<vmem>>, vector<1x128xf32>
      tpu.vector_store %arg13[%swap3A_79, %swap3A_80], %add3A_78 {strides = array<i32>} : memref<8x128xf32, #tpu.memory_space<vmem>>, vector<1x128xf32>,
    } else {
    }
    %eq3A_2 = arith.constant 1 : i32
    %eq3A_3 = arith.cmpi eq, %arg0, %eq3A_2 : i32
    %convert_element_type3A_4 = arith.extui %eq3A_3 : i1 to i32
    %cond3A_5 = arith.constant 0 : i32
    %cond3A_6 = arith.cmpi ne, %convert_element_type3A_4, %cond3A_5 : i32
    scf.if %cond3A_6 {
      %get3A = arith.constant 0 : index
      %get3A_7 = arith.constant 0 : index
      %get3A_8 = vector.load %arg13[%get3A, %get3A_7] : memref<8x128xf32, #tpu.memory_space<vmem>>, vector<1x128xf32>
      %mul3A = arith.constant 6.10351563E-5 : f32
      %mul3A_9 = vector.broadcast %mul3A : f32 to vector<1x128xf32>
      %mul3A_10 = arith.mulf %get3A_8, %mul3A_9 : vector<1x128xf32>
      %get3A_11 = arith.constant 1 : index
      %get3A_12 = arith.constant 0 : index
      %get3A_13 = vector.load %arg13[%get3A_11, %get3A_12] : memref<8x128xf32, #tpu.memory_space<vmem>>, vector<1x128xf32>
      %mul3A_14 = arith.constant 6.10351563E-5 : f32
      %mul3A_15 = vector.broadcast %mul3A_14 : f32 to vector<1x128xf32>
      %mul3A_16 = arith.mulf %get3A_13, %mul3A_15 : vector<1x128xf32>
      %mul3A_17 = arith.mulf %mul3A_10, %mul3A_10 : vector<1x128xf32>
      %sub3A = arith.subf %mul3A_16, %mul3A_17 : vector<1x128xf32>
      %get3A_18 = arith.constant 0 : index
      %get3A_19 = arith.constant 0 : index
      %get3A_20 = vector.load %arg7[%get3A_18, %get3A_19] : memref<1x128xf32, #tpu.memory_space<vmem>>, vector<1x128xf32>
      %add3A = arith.constant 9.99999974E-6 : f32
      %add3A_21 = vector.broadcast %add3A : f32 to vector<1x128xf32>
      %add3A_22 = arith.addf %sub3A, %add3A_21 : vector<1x128xf32>
      %sqrt3A = math.sqrt %add3A_22 : vector<1x128xf32>
      %div3A = arith.divf %get3A_20, %sqrt3A : vector<1x128xf32>
      %mul3A_23 = arith.constant 512 : i32
      %mul3A_24 = arith.muli %arg1, %mul3A_23 : i32
      %get3A_25 = arith.index_cast %mul3A_24 : i32 to index
      %get3A_26 = arith.constant 0 : index
      %get3A_27 = vector.load %arg12[%get3A_25, %get3A_26] : memref<16384x128xf32, #tpu.memory_space<vmem>>, vector<512x128xf32>
      %sub3A_28 = vector.broadcast %mul3A_10 : vector<1x128xf32> to vector<512x128xf32>
      %sub3A_29 = arith.subf %get3A_27, %sub3A_28 : vector<512x128xf32>
      %mul3A_30 = vector.broadcast %div3A : vector<1x128xf32> to vector<512x128xf32>
      %mul3A_31 = arith.mulf %sub3A_29, %mul3A_30 : vector<512x128xf32>
      %get3A_32 = arith.constant 0 : index
      %get3A_33 = arith.constant 0 : index
      %get3A_34 = vector.load %arg8[%get3A_32, %get3A_33] : memref<1x128xf32, #tpu.memory_space<vmem>>, vector<1x128xf32>
      %add3A_35 = vector.broadcast %get3A_34 : vector<1x128xf32> to vector<512x128xf32>
      %add3A_36 = arith.addf %mul3A_31, %add3A_35 : vector<512x128xf32>
      %max3A = arith.constant 0.000000e+00 : f32
      %max3A_37 = vector.broadcast %max3A : f32 to vector<512x128xf32>
      %max3A_38 = arith.maximumf %add3A_36, %max3A_37 : vector<512x128xf32>
      %get3A_39 = arith.constant 0 : index
      %get3A_40 = arith.constant 0 : index
      %get3A_41 = vector.load %arg9[%get3A_39, %get3A_40] : memref<128x128xf32, #tpu.memory_space<vmem>>, vector<128x128xf32>
      %convert_element_type3A_42 = arith.truncf %max3A_38 : vector<512x128xf32> to vector<512x128xbf16>
      %convert_element_type3A_43 = arith.truncf %get3A_41 : vector<128x128xf32> to vector<128x128xbf16>
      %dot_general3A = arith.constant dense<0.000000e+00> : vector<512x128xf32>
      %dot_general3A_44 = tpu.matmul %convert_element_type3A_42, %convert_element_type3A_43, %dot_general3A {dimension_numbers = #tpu.dot_dimension_numbers<[1], [0], [0], [1], [0, 0, 1, 1], [], []>, transpose_lhs_hint = false} : vector<512x128xbf16>, vector<128x128xbf16>, vector<512x128xf32> -> vector<512x128xf32>
      %get3A_45 = arith.constant 0 : index
      %get3A_46 = arith.constant 0 : index
      %get3A_47 = vector.load %arg10[%get3A_45, %get3A_46] : memref<1x128xf32, #tpu.memory_space<vmem>>, vector<1x128xf32>
      %add3A_48 = vector.broadcast %get3A_47 : vector<1x128xf32> to vector<512x128xf32>
      %add3A_49 = arith.addf %dot_general3A_44, %add3A_48 : vector<512x128xf32>
      %swap3A = arith.constant 0 : index
      %swap3A_50 = arith.constant 0 : index
      %swap3A_51 = vector.load %arg11[%swap3A, %swap3A_50] : memref<512x128xf32, #tpu.memory_space<vmem>>, vector<512x128xf32>
      tpu.vector_store %arg11[%swap3A, %swap3A_50], %add3A_49 {strides = array<i32>} : memref<512x128xf32, #tpu.memory_space<vmem>>, vector<512x128xf32>,
    } else {
    }
    return
  }
  func.func @transform_0(%arg0: i32, %arg1: i32) -> (i32, i32, i32) {
    %eq3A = arith.constant 0 : i32
    %eq3A_0 = arith.cmpi eq, %arg0, %eq3A : i32
    %jit3A = arith.constant 0 : i32
    %select_n3A = arith.select %eq3A_0, %arg1, %jit3A : i32
    %c0_i32 = arith.constant 0 : i32
    %c0_i32_1 = arith.constant 0 : i32
    %c0_i32_2 = arith.constant 0 : i32
    return %c0_i32, %select_n3A, %c0_i32_1 : i32, i32, i32
  }
  func.func @transform_1(%arg0: i32, %arg1: i32) -> (i32, i32) {
    %eq3A = arith.constant 0 : i32
    %eq3A_0 = arith.cmpi eq, %arg0, %eq3A : i32
    %jit3A = arith.constant 0 : i32
    %select_n3A = arith.select %eq3A_0, %arg1, %jit3A : i32
    %c0_i32 = arith.constant 0 : i32
    %c0_i32_1 = arith.constant 0 : i32
    return %select_n3A, %c0_i32 : i32, i32
  }
  func.func @transform_2(%arg0: i32, %arg1: i32) -> (i32, i32) {
    %eq3A = arith.constant 0 : i32
    %eq3A_0 = arith.cmpi eq, %arg0, %eq3A : i32
    %jit3A = arith.constant 0 : i32
    %select_n3A = arith.select %eq3A_0, %arg1, %jit3A : i32
    %c0_i32 = arith.constant 0 : i32
    %c0_i32_1 = arith.constant 0 : i32
    return %select_n3A, %c0_i32 : i32, i32
  }
  func.func @transform_3(%arg0: i32, %arg1: i32) -> (i32, i32) {
    %c0_i32 = arith.constant 0 : i32
    %c0_i32_0 = arith.constant 0 : i32
    %c0_i32_1 = arith.constant 0 : i32
    return %c0_i32, %c0_i32_0 : i32, i32
  }
  func.func @transform_4(%arg0: i32, %arg1: i32) -> (i32, i32) {
    %c0_i32 = arith.constant 0 : i32
    %c0_i32_0 = arith.constant 0 : i32
    %c0_i32_1 = arith.constant 0 : i32
    return %c0_i32, %c0_i32_0 : i32, i32
  }
  func.func @transform_5(%arg0: i32, %arg1: i32) -> (i32, i32) {
    %c0_i32 = arith.constant 0 : i32
    %c0_i32_0 = arith.constant 0 : i32
    %c0_i32_1 = arith.constant 0 : i32
    return %c0_i32, %c0_i32_0 : i32, i32
  }
  func.func @transform_6(%arg0: i32, %arg1: i32) -> (i32, i32) {
    %c0_i32 = arith.constant 0 : i32
    %c0_i32_0 = arith.constant 0 : i32
    %c0_i32_1 = arith.constant 0 : i32
    return %c0_i32, %c0_i32_0 : i32, i32
  }
  func.func @transform_7(%arg0: i32, %arg1: i32) -> (i32, i32) {
    %c0_i32 = arith.constant 0 : i32
    %c0_i32_0 = arith.constant 0 : i32
    %c0_i32_1 = arith.constant 0 : i32
    return %c0_i32, %c0_i32_0 : i32, i32
  }
  func.func @transform_8(%arg0: i32, %arg1: i32) -> (i32, i32) {
    %c0_i32 = arith.constant 0 : i32
    %c0_i32_0 = arith.constant 0 : i32
    %c0_i32_1 = arith.constant 0 : i32
    return %c0_i32, %c0_i32_0 : i32, i32
  }
  func.func @transform_9(%arg0: i32, %arg1: i32) -> (i32, i32) {
    %eq3A = arith.constant 0 : i32
    %eq3A_0 = arith.cmpi eq, %arg0, %eq3A : i32
    %jit3A = arith.constant 0 : i32
    %select_n3A = arith.select %eq3A_0, %jit3A, %arg1 : i32
    %c0_i32 = arith.constant 0 : i32
    %c0_i32_1 = arith.constant 0 : i32
    return %select_n3A, %c0_i32 : i32, i32
  }
}

</mosaic_0001>

<sc_bundles>
// kernel: kernel.5.cloned.1.call-start
scs
__scs_entry_jumppad:
0x0: {  	(pc) =	sbr.rel $0x88, $3  }
0x1: {  	(tag) =	ssettag $0x0;
	lr =	simm.s32 $0x1  }
0x2: {  	[smem:$0x3F97] =	sst lr;
	_ =	strace $0xD0000000  }
0x3: {  	_ = 	snop  }
0x4: {  	_ = 	snop  }
0x5: {  	_ = 	snop  }
0x6: {  	_ = 	snop  }
0x7: {  	_ = 	snop  }
__scs_overlays_trampoline_lowered:
0x8: {  	[smem:$0x3FA6] =	sst s0  }
0x9: {  	[smem:$0x3FA7] =	sst s1  }
0xa: {  	[smem:$0x3FA8] =	sst s2  }
0xb: {  	[smem:$0x3FA9] =	sst s3  }
0xc: {  	[smem:$0x3FAA] =	sst s4  }
0xd: {  	[smem:$0x3FAB] =	sst s5  }
0xe: {  	[smem:$0x3FAC] =	sst s6  }
0xf: {  	[smem:$0x3FAD] =	sst s7  }
0x10: {  	[smem:$0x3FAE] =	sst s8  }
0x11: {  	[smem:$0x3FAF] =	sst s9;
	s0 =	simm.s32 @!p0 $0x0  }
0x12: {  	s1 =	sld [smem:$0x3F95];
	s0 =	simm.s32 @p0 $0x1  }
0x13: {  	[smem:$0x3FB0] =	sst s0;
	s0 =	simm.s32 @!p1 $0x0  }
0x14: {  	s2 =	sld [smem:$0x3F94];
	s0 =	simm.s32 @p1 $0x1  }
0x15: {  	[smem:$0x3FB1] =	sst s0;
	s0 =	simm.s32 @!p2 $0x0  }
0x16: {  	s3 =	sld [smem:$0x3FDB];
	s0 =	simm.s32 @p2 $0x1  }
0x17: {  	s4 =	simm.s32 $0x1BF5;
	[smem:$0x3FB3] =	sst s0  }
0x18: {  	s0 =	sld [smem:$0x3F96];
	_ =	swait.ge [sflag:s4], $0x0  }
0x19: {  	s7 =	sld [smem:$0x3F97]  }
0x1a: {  	s8 =	sadd.s32 $0xFFFFE003, lr  }
0x1b: {  	s9 =	sadd.s32 $0xFFFFFEF7, lr;
	s5 =	simm.s32 $0xFFFFFFFF;
	p2 =	slt.u32 s8, $0xFFFFF086  }
0x1c: {  	p1 =	slt.u32 s9, $0xF7A;
	s5 =	simm.s32 @!p2 $0x0  }
0x1d: {  	s5 =	simm.s32 @p1 $0x1;
	p0 =	seq.s32 s7, s2  }
0x1e: {  	s7 =	smul.u32 @!p0 $0xF7A, s2;
	p2 =	seq.s32 @!p0 s5, $0x0  }
0x1f: {  	s9 =	smul.u32 $0xF7A, s1;
	s8 =	simm.s32 @!p0 $0x1BF5;
	p2 =	por !p2, p0  }
0x20: {  	[sflag:s8] =	ssyncset.s32 @!p0 $0xFFFFF086;
	s6 =	sadd.s32 @!p0 s3, s7;
	s7 =	simm.s32 @!p0 $0x108  }
0x21: {  	s3 =	sadd.s32 s3, s9;
	s6 =	sadd.s32 @!p0 $0x88, s6;
	s7 =	simm.s32 @p2 $0x1082  }
0x22: {  	[simem:s7], [sflag:s8] =	dma.local @!p0 [hbm:s6], $0xF7A  }
0x23: {  	s9 =	sor.u32 $0xD0000000, s2;
	s6 =	simm.s32 $0x108;
	_ =	swait.ge @!p0 [sflag:s8], $0x0  }
0x24: {  	s3 =	sadd.s32 $0x88, s3;
	s6 =	simm.s32 @!p1 $0x1082;
	[sflag:s4] =	ssyncset.s32 $0xFFFFF086  }
0x25: {  	[simem:s6], [sflag:s4] =	dma.local [hbm:s3], $0xF7A  }
0x26: {  	[smem:$0x3F97] =	sst s1;
	(tag) =	ssettag s2;
	_ =	strace s9  }
0x27: {  	s1 =	sld [smem:$0x3FA7]  }
0x28: {  	s2 =	sld [smem:$0x3FA8]  }
0x29: {  	s4 =	sld [smem:$0x3FAA]  }
0x2a: {  	p0 =	seq.s32 s5, $0x0;
	s5 =	sld [smem:$0x3FAB]  }
0x2b: {  	s6 =	sld [smem:$0x3FAC]  }
0x2c: {  	s7 =	sld [smem:$0x3FAD]  }
0x2d: {  	s3 =	simm.s32 $0x108;
	s8 =	sld [smem:$0x3FAE]  }
0x2e: {  	s3 =	simm.s32 @!p0 $0x1082;
	s9 =	sld [smem:$0x3FAF]  }
0x2f: {  	lr =	sadd.s32 s0, s3;
	s0 =	sld [smem:$0x3FA6]  }
0x30: {  	s3 =	sld [smem:$0x3FA9]  }
0x31: {  	[smem:$0x3FB2] =	sst s10  }
0x32: {  	s10 =	sld [smem:$0x3FB0];
	_ =	sdelay $0x3  }
0x33: {  	p0 =	seq.s32 s10, $0x1;
	s10 =	sld [smem:$0x3FB2];
	_ =	sdelay $0x3  }
0x34: {  	[smem:$0x3FB2] =	sst s10  }
0x35: {  	s10 =	sld [smem:$0x3FB1];
	_ =	sdelay $0x3  }
0x36: {  	p1 =	seq.s32 s10, $0x1;
	s10 =	sld [smem:$0x3FB2];
	_ =	sdelay $0x3  }
0x37: {  	[smem:$0x3FB2] =	sst s10  }
0x38: {  	s10 =	sld [smem:$0x3FB3]  }
0x39: {  	_ = 	snop;
	(pc) =	sbr.ind lr, $3  }
0x3a: {  	_ = 	snop  }
0x3b: {  	_ = 	snop  }
0x3c: {  	p2 =	seq.s32 s10, $0x1;
	s10 =	sld [smem:$0x3FB2]  }
0x3d: {  	_ =	shalt  }
0x3e: {  	_ =	shalt  }
0x3f: {  	_ =	shalt  }
0x40: {  	_ =	shalt  }
0x41: {  	_ =	shalt  }
0x42: {  	_ =	shalt  }
0x43: {  	_ =	shalt  }
0x44: {  	_ =	shalt  }
0x45: {  	_ =	shalt  }
0x46: {  	_ =	shalt  }
0x47: {  	_ =	shalt  }
0x48: {  	_ =	shalt  }
0x49: {  	_ =	shalt  }
0x4a: {  	_ =	shalt  }
0x4b: {  	_ =	shalt  }
0x4c: {  	_ =	shalt  }
0x4d: {  	_ =	shalt  }
0x4e: {  	_ =	shalt  }
0x4f: {  	_ =	shalt  }
0x50: {  	_ =	shalt  }
0x51: {  	_ =	shalt  }
0x52: {  	_ =	shalt  }
0x53: {  	_ =	shalt  }
0x54: {  	_ =	shalt  }
0x55: {  	_ =	shalt  }
0x56: {  	_ =	shalt  }
0x57: {  	_ =	shalt  }
0x58: {  	_ =	shalt  }
0x59: {  	_ =	shalt  }
0x5a: {  	_ =	shalt  }
0x5b: {  	_ =	shalt  }
0x5c: {  	_ =	shalt  }
0x5d: {  	_ =	shalt  }
0x5e: {  	_ =	shalt  }
0x5f: {  	_ =	shalt  }
0x60: {  	_ =	shalt  }
0x61: {  	_ =	shalt  }
0x62: {  	_ =	shalt  }
0x63: {  	_ =	shalt  }
0x64: {  	_ =	shalt  }
0x65: {  	_ =	shalt  }
0x66: {  	_ =	shalt  }
0x67: {  	_ =	shalt  }
0x68: {  	_ =	shalt  }
0x69: {  	_ =	shalt  }
0x6a: {  	_ =	shalt  }
0x6b: {  	_ =	shalt  }
0x6c: {  	_ =	shalt  }
0x6d: {  	_ =	shalt  }
0x6e: {  	_ =	shalt  }
0x6f: {  	_ =	shalt  }
0x70: {  	_ =	shalt  }
0x71: {  	_ =	shalt  }
0x72: {  	_ =	shalt  }
0x73: {  	_ =	shalt  }
0x74: {  	_ =	shalt  }
0x75: {  	_ =	shalt  }
0x76: {  	_ =	shalt  }
0x77: {  	_ =	shalt  }
0x78: {  	_ =	shalt  }
0x79: {  	_ =	shalt  }
0x7a: {  	_ =	shalt  }
0x7b: {  	_ =	shalt  }
0x7c: {  	_ =	shalt  }
0x7d: {  	_ =	shalt  }
0x7e: {  	_ =	shalt  }
0x7f: {  	_ =	shalt  }
0x80: {  	_ =	shalt  }
0x81: {  	_ =	shalt  }
0x82: {  	_ =	shalt  }
0x83: {  	_ =	shalt  }
0x84: {  	_ =	shalt  }
0x85: {  	_ =	shalt  }
0x86: {  	_ =	shalt  }
0x87: {  	_ =	shalt  }
.Lfunc_end0:
.L_simem_size_0:
called_computation_lowered:
.L_overlay_start_0:
0x88: {  	s2 =	sld [smem:$0x3FD9]  }
0x89: {  	s3 =	sld [smem:$0x3FFE];
	_ =	sdelay $0x1  }
0x8a: {  	s1 =	srdreg.scid  }
0x8b: {  	s0 =	sand.u32 $0x1, s1  }
0x8c: {  	s17 =	sshll.u32 s0, $0xA;
	s2 =	sadd.s32 s3, s2  }
0x8d: {  	s2 =	sadd.s32 s2, s17  }
0x8e: {  	[smem:$0x3FBE] =	sst s2  }
0x8f: {  	_ = 	snop  }
0x90: {  	s2 =	sld [smem:$0x3FC6]  }
0x91: {  	s18 =	sld [smem:$0x3FD0];
	(tm) =	ssettm $0x1  }
0x92: {  	s4 =	sld [smem:$0x3FFB];
	_ =	sdelay $0x3  }
0x93: {  	_ =	strace s4  }
0x94: {  	s4 =	sld [smem:$0x3FFC];
	_ =	sdelay $0x3  }
0x95: {  	_ =	strace s4  }
0x96: {  	s4 =	sld [smem:$0x3FFD];
	_ =	sdelay $0x3  }
0x97: {  	_ =	strace s4  }
0x98: {  	_ =	strace $0x8FFFFFFF  }
0x99: {  	s19 =	sld [smem:$0x3FDB];
	_ =	sdelay $0x1  }
0x9a: {  	s5 =	simm.s32 $_scs_section_size  }
0x9b: {  	s6 =	simm.s32 $_size__tile_overlayer_lowered;
	s7 =	simm.s32 $_tile_overlayer_lowered  }
0x9c: {  	s22 =	simm.s32 $0x1BFF;
	s21 =	sshll.u32 s7, $0x1;
	s4 =	sadd.s32 s5, s19  }
0x9d: {  	s8 =	simm.s32 $0x0;
	s20 =	sshll.u32 s6, $0x1;
	s6 =	sadd.s32 s21, s4  }
0x9e: {  	[timem:s8], [sflag:s22] =	dma.local [hbm:s6], s20  }
0x9f: {  	_ =	swait.ge [sflag:s22], s20  }
0xa0: {  	s5 =	ssub.s32 $0x0, s20;
	[sflag:s22] =	ssyncset.done $0x0  }
0xa1: {  	[sflag:s22] =	ssyncadd.s32 s5;
	_ =	sdelay $0x1  }
0xa2: {  	s23 =	simm.s32 $0x1B8B  }
0xa3: {  	_ =	swait.ge [sflag:s23], $0x1  }
0xa4: {  	[sflag:s23] =	ssyncset.done $0x0  }
0xa5: {  	s25 =	simm.s32 $0x1B8E;
	s24 =	sld [smem:$0x3FFE];
	[sflag:s23] =	ssyncadd.s32 $0xFFFFFFFF  }
0xa6: {  	s26 =	simm.s32 $execute0_lowered;
	[smem:$0x3FD2] =	sst s25  }
0xa7: {  	s6 =	sshll.u32 s26, $0x1;
	_ =	strace $0x80000046;
	[dreg:$0x1] =	wrdreg $0xFFFFFFFF  }
0xa8: {  	s28 =	simm.s32 $_size_execute0_lowered;
	s4 =	sadd.s32 s4, s6;
	[dreg:$0x0] =	wrdreg $0x0  }
0xa9: {  	s6 =	sshll.u32 s28, $0x1;
	[dreg:$0x2] =	wrdreg s4  }
0xaa: {  	[dreg:$0x3] =	wrdreg s6  }
0xab: {  	[dreg:$0x4] =	wrdreg $0xC0  }
0xac: {  	_ =	task [dreg:s8], $0x5FFFF  }
0xad: {  	[dreg:$0x1] =	wrdreg $0xFFFFFFFF  }
0xae: {  	[dreg:$0x0] =	wrdreg $0x60  }
0xaf: {  	[dreg:$0x2] =	wrdreg s18  }
0xb0: {  	[dreg:$0x3] =	wrdreg s2  }
0xb1: {  	[dreg:$0x4] =	wrdreg s24  }
0xb2: {  	[dreg:$0x5] =	wrdreg $0x9  }
0xb3: {  	_ =	task.clear_ibuf [dreg:s8], $0x6FFFF;
	_ =	strace $0x90000046  }
0xb4: {  	s29 =	simm.s32 $0x9;
	_ =	strace $0x80000048  }
0xb5: {  	_ =	swait.ge [sflag:s29], $0x1  }
0xb6: {  	[sflag:s29] =	ssyncadd.s32 $0xFFFFFFFF  }
0xb7: {  	_ =	strace $0x90000048  }
0xb8: {  	_ =	sfence  }
0xb9: {  	s30 =	sld [smem:$0x0];
	_ =	sdelay $0x2  }
0xba: {  	s31 =	sshll.u32 s1, $0xD;
	s1 =	sshrl.u32 s1, $0x2  }
0xbb: {  	s3 =	sand.u32 $0x4000, s31;
	s1 =	sadd.s32 s1, s30  }
0xbc: {  	s0 =	sor.u32 s3, s0;
	s1 =	sshll.u32 s1, $0x11  }
0xbd: {  	s0 =	sor.u32 s1, s0  }
0xbe: {  	s0 =	sadd.s32 $0x8F2B, s0  }
0xbf: {  	[sflag:s0] =	ssyncadd.remote.s32 $0x1  }
0xc0: {  	_ =	sfence.sel $0xFFFF  }
0xc1: {  	[dreg:$0x0] =	wrdreg $0xFFFFFFFF;
	(pc) =	sbr.abs _section_cstart, $3  }
0xc2: {  	[dreg:$0x1] =	wrdreg $0xFFFFFFFF  }
0xc3: {  	_ =	task.clear_ibuf [dreg:s8], $0x2FFFF;
	_ =	strace $0x9FFFFFFF  }
0xc4: {  	(tm) =	ssettm $0x7FFFFFFF  }
0xc5: {  	_ =	shalt  }
tec
execute0_lowered:
.L_overlay_start_1:
0x0: {  	(tag) =	ssettag $0x1  }
0x1: {  	s0 =	rddreg [dreg:$0x0]  }
0x2: {  	s3 =	rddreg [dreg:$0x1]  }
0x3: {  	s1 =	srdreg.scid;
	s2 =	stileid.u32  }
0x4: {  	s4 =	rddreg [dreg:$0x2];
	s29 =	simm.s32 $0x9;
	s30 =	simm.s32 $0x400  }
0x5: {  	s13 =	simm.s32 $0x5000;
	s31 =	simm.s32 $0x800;
	s12 =	simm.s32 $0x9000  }
0x6: {  	s28 =	simm.s32 $0xC00;
	s10 =	simm.s32 $0xD000;
	s9 =	simm.s32 $0x5  }
0x7: {  	s7 =	simm.s32 $0x6;
	s26 =	simm.s32 $0x480;
	s8 =	simm.s32 $0x7  }
0x8: {  	s25 =	simm.s32 $0x880;
	s1 =	sand.u32 $0x1, s1;
	s5 =	sshll.u32 s2, $0x1  }
0x9: {  	p0 =	por $0x0, $0x0;
	s11 =	simm.s32 $0x8;
	s5 =	sor.u32 s1, s5  }
0xa: {  	s2 =	simm.s32 $0x0;
	s6 =	sshll.u32 s5, $0xD;
	s5 =	sshll.u32 s5, $0x9  }
0xb: {  	[smem:$0x7FF] =	sst s2;
	s4 =	sadd.s32 s6, s4;
	s0 =	sadd.s32 s0, s5  }
0xc: {  	_ =	strace $0x80000047;
	[dreg:$0x4] =	wrdreg s0;
	s14 =	sadd.s32 $0x1600, s4  }
0xd: {  	s1 =	ssub.s32 $0x2, s1;
	s15 =	sadd.s32 $0x1E00, s4;
	[dreg:$0x5] =	wrdreg s14  }
0xe: {  	s21 =	sshrl.u32 s1, $0x1;
	s16 =	sadd.s32 $0x2600, s4;
	[dreg:$0x6] =	wrdreg s15  }
0xf: {  	s1 =	ssub.s32 s1, s21;
	s17 =	sadd.s32 $0x2E00, s4;
	[dreg:$0x7] =	wrdreg s16  }
0x10: {  	s21 =	simm.s32 $0x900;
	s18 =	sadd.s32 $0x41600, s4;
	[dreg:$0x8] =	wrdreg s17  }
0x11: {  	s19 =	sadd.s32 $0x41E00, s4;
	s20 =	sadd.s32 $0x42600, s4;
	[dreg:$0x9] =	wrdreg s18  }
0x12: {  	s22 =	sadd.s32 $0x42E00, s4;
	s23 =	sadd.s32 $0x81600, s4;
	[dreg:$0xa] =	wrdreg s19  }
0x13: {  	s6 =	sadd.s32 $0x81E00, s4;
	s24 =	smax.u32 s1, $0x1;
	[dreg:$0xb] =	wrdreg s20  }
0x14: {  	s5 =	sadd.s32 $0x82600, s4;
	[dreg:$0xc] =	wrdreg s22;
	p1 =	sne.s32 s24, $0x1  }
.Ltmp0:
0x15: {  	s4 =	sadd.s32 $0x82E00, s4;
	[dreg:$0xd] =	wrdreg s23;
	(pc) =	sbr.rel @!p1 .LBB2_3-.Ltmp0, $4  }
0x16: {  	s14 =	simm.s32 $0x80;
	s17 =	simm.s32 $0x1000;
	s19 =	simm.s32 $0x1  }
0x17: {  	s18 =	simm.s32 $0x2;
	s16 =	simm.s32 $0x3;
	s15 =	simm.s32 $0x4  }
0x18: {  	s1 =	sadd.s32 $0xFFFFFFFF, s24;
	s24 =	simm.s32 $0xC80;
	s23 =	simm.s32 $0x100  }
0x19: {  	s22 =	simm.s32 $0x500;
	s20 =	simm.s32 $0xD00;
	s0 =	rddreg [dreg:$0x4]  }
0x1a: {  	[tilespmem:s2], [sflag:$0x9] =	stream.linear.gather [hbm4b:s0+s2], $0x1000, $0x38;
	[tilespmem:$0x11000] =	vst v63  }
0x1b: {  	_ =	swait.ge [sflag:s29], $0x1000  }
0x1c: {  	[sflag:s29] =	ssyncset.done $0x0  }
0x1d: {  	[sflag:s29] =	ssyncadd.s32 $0xFFFFF000  }
0x1e: {  	[tilespmem:s17], [sflag:$0x1] =	stream.indirect.gather [hbm4b:s3+s14], $0x80, s2, s14, $0xb8;
	[tilespmem:$0x11000] =	vst v63  }
0x1f: {  	_ = 	snop  }
0x20: {  	[tilespmem:s13], [sflag:$0x2] =	stream.indirect.gather [hbm4b:s3+s14], $0x80, s30, s14, $0xb8;
	[tilespmem:$0x11000] =	vst v63  }
0x21: {  	_ = 	snop  }
0x22: {  	[tilespmem:s12], [sflag:$0x3] =	stream.indirect.gather [hbm4b:s3+s14], $0x80, s31, s14, $0xb8;
	[tilespmem:$0x11000] =	vst v63  }
0x23: {  	_ =	swait.ge [sflag:s19], $0x4000  }
0x24: {  	[sflag:s19] =	ssyncset.done $0x0  }
0x25: {  	s0 =	rddreg [dreg:$0x5];
	[sflag:s19] =	ssyncadd.s32 $0xFFFFC000  }
0x26: {  	[hbm4b:s0+s2] =	stream.linear.scatter [tilespmem:s17], [sflag:$0x5], $0x4000, $0x38;
	[tilespmem:$0x11000] =	vst v63  }
0x27: {  	_ = 	snop  }
0x28: {  	[tilespmem:s10], [sflag:$0x4] =	stream.indirect.gather [hbm4b:s3+s14], $0x80, s28, s14, $0xb8;
	[tilespmem:$0x11000] =	vst v63  }
0x29: {  	_ =	swait.ge [sflag:s18], $0x4000  }
0x2a: {  	[sflag:s18] =	ssyncset.done $0x0  }
0x2b: {  	s0 =	rddreg [dreg:$0x6];
	[sflag:s18] =	ssyncadd.s32 $0xFFFFC000  }
0x2c: {  	[hbm4b:s0+s2] =	stream.linear.scatter [tilespmem:s13], [sflag:$0x6], $0x4000, $0x38;
	[tilespmem:$0x11000] =	vst v63  }
0x2d: {  	_ =	swait.ge [sflag:s9], $0x4000  }
0x2e: {  	[sflag:s9] =	ssyncset.done $0x0  }
0x2f: {  	[sflag:s9] =	ssyncadd.s32 $0xFFFFC000  }
0x30: {  	[tilespmem:s17], [sflag:$0x1] =	stream.indirect.gather [hbm4b:s3+s14], $0x80, s14, s14, $0xb8;
	[tilespmem:$0x11000] =	vst v63  }
0x31: {  	_ =	swait.ge [sflag:s16], $0x4000  }
0x32: {  	[sflag:s16] =	ssyncset.done $0x0  }
0x33: {  	s0 =	rddreg [dreg:$0x7];
	[sflag:s16] =	ssyncadd.s32 $0xFFFFC000  }
0x34: {  	[hbm4b:s0+s2] =	stream.linear.scatter [tilespmem:s12], [sflag:$0x7], $0x4000, $0x38;
	[tilespmem:$0x11000] =	vst v63  }
0x35: {  	_ =	swait.ge [sflag:s7], $0x4000  }
0x36: {  	[sflag:s7] =	ssyncset.done $0x0  }
0x37: {  	[sflag:s7] =	ssyncadd.s32 $0xFFFFC000  }
0x38: {  	[tilespmem:s13], [sflag:$0x2] =	stream.indirect.gather [hbm4b:s3+s14], $0x80, s26, s14, $0xb8;
	[tilespmem:$0x11000] =	vst v63  }
0x39: {  	_ =	swait.ge [sflag:s15], $0x4000  }
0x3a: {  	[sflag:s15] =	ssyncset.done $0x0  }
0x3b: {  	s0 =	rddreg [dreg:$0x8];
	[sflag:s15] =	ssyncadd.s32 $0xFFFFC000  }
0x3c: {  	[hbm4b:s0+s2] =	stream.linear.scatter [tilespmem:s10], [sflag:$0x8], $0x4000, $0x38;
	[tilespmem:$0x11000] =	vst v63  }
0x3d: {  	_ =	swait.ge [sflag:s8], $0x4000  }
0x3e: {  	[sflag:s8] =	ssyncset.done $0x0  }
0x3f: {  	[sflag:s8] =	ssyncadd.s32 $0xFFFFC000  }
0x40: {  	[tilespmem:s12], [sflag:$0x3] =	stream.indirect.gather [hbm4b:s3+s14], $0x80, s25, s14, $0xb8;
	[tilespmem:$0x11000] =	vst v63  }
0x41: {  	_ =	swait.ge [sflag:s19], $0x4000  }
0x42: {  	[sflag:s19] =	ssyncset.done $0x0  }
0x43: {  	s0 =	rddreg [dreg:$0x9];
	[sflag:s19] =	ssyncadd.s32 $0xFFFFC000  }
0x44: {  	[hbm4b:s0+s2] =	stream.linear.scatter [tilespmem:s17], [sflag:$0x5], $0x4000, $0x38;
	[tilespmem:$0x11000] =	vst v63  }
0x45: {  	_ =	swait.ge [sflag:s11], $0x4000  }
0x46: {  	[sflag:s11] =	ssyncset.done $0x0  }
0x47: {  	[sflag:s11] =	ssyncadd.s32 $0xFFFFC000  }
0x48: {  	[tilespmem:s10], [sflag:$0x4] =	stream.indirect.gather [hbm4b:s3+s14], $0x80, s24, s14, $0xb8;
	[tilespmem:$0x11000] =	vst v63  }
0x49: {  	_ =	swait.ge [sflag:s18], $0x4000  }
0x4a: {  	[sflag:s18] =	ssyncset.done $0x0  }
0x4b: {  	s0 =	rddreg [dreg:$0xa];
	[sflag:s18] =	ssyncadd.s32 $0xFFFFC000  }
0x4c: {  	[hbm4b:s0+s2] =	stream.linear.scatter [tilespmem:s13], [sflag:$0x6], $0x4000, $0x38;
	[tilespmem:$0x11000] =	vst v63  }
0x4d: {  	_ =	swait.ge [sflag:s9], $0x4000  }
0x4e: {  	[sflag:s9] =	ssyncset.done $0x0  }
0x4f: {  	[sflag:s9] =	ssyncadd.s32 $0xFFFFC000  }
0x50: {  	[tilespmem:s17], [sflag:$0x1] =	stream.indirect.gather [hbm4b:s3+s14], $0x80, s23, s14, $0xb8;
	[tilespmem:$0x11000] =	vst v63  }
0x51: {  	_ =	swait.ge [sflag:s16], $0x4000  }
0x52: {  	[sflag:s16] =	ssyncset.done $0x0  }
0x53: {  	s0 =	rddreg [dreg:$0xb];
	[sflag:s16] =	ssyncadd.s32 $0xFFFFC000  }
0x54: {  	[hbm4b:s0+s2] =	stream.linear.scatter [tilespmem:s12], [sflag:$0x7], $0x4000, $0x38;
	[tilespmem:$0x11000] =	vst v63  }
0x55: {  	_ =	swait.ge [sflag:s7], $0x4000  }
0x56: {  	[sflag:s7] =	ssyncset.done $0x0  }
0x57: {  	[sflag:s7] =	ssyncadd.s32 $0xFFFFC000  }
0x58: {  	[tilespmem:s13], [sflag:$0x2] =	stream.indirect.gather [hbm4b:s3+s14], $0x80, s22, s14, $0xb8;
	[tilespmem:$0x11000] =	vst v63  }
0x59: {  	_ =	swait.ge [sflag:s15], $0x4000  }
0x5a: {  	[sflag:s15] =	ssyncset.done $0x0  }
0x5b: {  	s0 =	rddreg [dreg:$0xc];
	[sflag:s15] =	ssyncadd.s32 $0xFFFFC000  }
0x5c: {  	[hbm4b:s0+s2] =	stream.linear.scatter [tilespmem:s10], [sflag:$0x8], $0x4000, $0x38;
	[tilespmem:$0x11000] =	vst v63  }
0x5d: {  	_ =	swait.ge [sflag:s8], $0x4000  }
0x5e: {  	[sflag:s8] =	ssyncset.done $0x0  }
0x5f: {  	[sflag:s8] =	ssyncadd.s32 $0xFFFFC000  }
0x60: {  	[tilespmem:s12], [sflag:$0x3] =	stream.indirect.gather [hbm4b:s3+s14], $0x80, s21, s14, $0xb8;
	[tilespmem:$0x11000] =	vst v63  }
0x61: {  	_ =	swait.ge [sflag:s19], $0x4000  }
0x62: {  	[sflag:s19] =	ssyncset.done $0x0  }
0x63: {  	s0 =	rddreg [dreg:$0xd];
	[sflag:s19] =	ssyncadd.s32 $0xFFFFC000  }
0x64: {  	[hbm4b:s0+s2] =	stream.linear.scatter [tilespmem:s17], [sflag:$0x5], $0x4000, $0x38;
	[tilespmem:$0x11000] =	vst v63  }
0x65: {  	_ =	swait.ge [sflag:s11], $0x4000  }
0x66: {  	[sflag:s11] =	ssyncset.done $0x0  }
0x67: {  	[sflag:s11] =	ssyncadd.s32 $0xFFFFC000  }
0x68: {  	[tilespmem:s10], [sflag:$0x4] =	stream.indirect.gather [hbm4b:s3+s14], $0x80, s20, s14, $0xb8;
	[tilespmem:$0x11000] =	vst v63  }
0x69: {  	_ =	swait.ge [sflag:s18], $0x4000  }
0x6a: {  	[sflag:s18] =	ssyncset.done $0x0  }
0x6b: {  	[sflag:s18] =	ssyncadd.s32 $0xFFFFC000  }
0x6c: {  	[hbm4b:s6+s2] =	stream.linear.scatter [tilespmem:s13], [sflag:$0x6], $0x4000, $0x38;
	[tilespmem:$0x11000] =	vst v63  }
0x6d: {  	_ =	swait.ge [sflag:s16], $0x4000  }
0x6e: {  	[sflag:s16] =	ssyncset.done $0x0  }
0x6f: {  	[sflag:s16] =	ssyncadd.s32 $0xFFFFC000  }
0x70: {  	[hbm4b:s5+s2] =	stream.linear.scatter [tilespmem:s12], [sflag:$0x7], $0x4000, $0x38;
	[tilespmem:$0x11000] =	vst v63  }
0x71: {  	_ =	swait.ge [sflag:s15], $0x4000  }
0x72: {  	[sflag:s15] =	ssyncset.done $0x0  }
0x73: {  	[sflag:s15] =	ssyncadd.s32 $0xFFFFC000  }
0x74: {  	[hbm4b:s4+s2] =	stream.linear.scatter [tilespmem:s10], [sflag:$0x8], $0x4000, $0x38;
	[tilespmem:$0x11000] =	vst v63  }
0x75: {  	_ =	swait.ge [sflag:s9], $0x4000  }
0x76: {  	[sflag:s9] =	ssyncset.done $0x0  }
0x77: {  	[sflag:s9] =	ssyncadd.s32 $0xFFFFC000  }
0x78: {  	_ =	swait.ge [sflag:s7], $0x4000  }
0x79: {  	[sflag:s7] =	ssyncset.done $0x0  }
0x7a: {  	p1 =	sne.s32 s1, $0x1;
	[sflag:s7] =	ssyncadd.s32 $0xFFFFC000  }
.Ltmp1:
0x7b: {  	_ =	swait.ge [sflag:s8], $0x4000;
	(pc) =	sbr.rel @!p1 .LBB2_3-.Ltmp1, $4  }
0x7c: {  	[sflag:s8] =	ssyncset.done $0x0  }
0x7d: {  	[sflag:s8] =	ssyncadd.s32 $0xFFFFC000  }
0x7e: {  	s1 =	sadd.s32 $0xFFFFFFFF, s1;
	_ =	swait.ge [sflag:s11], $0x4000  }
0x7f: {  	p0 =	por $0x1, $0x1;
	s0 =	rddreg [dreg:$0x4];
	[sflag:s11] =	ssyncset.done $0x0  }
.LBB2_2:
0x80: {  	[sflag:s11] =	ssyncadd.s32 $0xFFFFC000  }
0x81: {  	[tilespmem:s2], [sflag:$0x9] =	stream.linear.gather [hbm4b:s0+s2], $0x1000, $0x38;
	[tilespmem:$0x11000] =	vst v63  }
0x82: {  	_ =	swait.ge [sflag:s29], $0x1000  }
0x83: {  	[sflag:s29] =	ssyncset.done $0x0  }
0x84: {  	[sflag:s29] =	ssyncadd.s32 $0xFFFFF000  }
0x85: {  	[tilespmem:s17], [sflag:$0x1] =	stream.indirect.gather [hbm4b:s3+s14], $0x80, s2, s14, $0xb8;
	[tilespmem:$0x11000] =	vst v63  }
0x86: {  	_ = 	snop  }
0x87: {  	[tilespmem:s13], [sflag:$0x2] =	stream.indirect.gather [hbm4b:s3+s14], $0x80, s30, s14, $0xb8;
	[tilespmem:$0x11000] =	vst v63  }
0x88: {  	_ = 	snop  }
0x89: {  	[tilespmem:s12], [sflag:$0x3] =	stream.indirect.gather [hbm4b:s3+s14], $0x80, s31, s14, $0xb8;
	[tilespmem:$0x11000] =	vst v63  }
0x8a: {  	_ =	swait.ge [sflag:s19], $0x4000  }
0x8b: {  	[sflag:s19] =	ssyncset.done $0x0  }
0x8c: {  	s0 =	rddreg [dreg:$0x5];
	[sflag:s19] =	ssyncadd.s32 $0xFFFFC000  }
0x8d: {  	[hbm4b:s0+s2] =	stream.linear.scatter [tilespmem:s17], [sflag:$0x5], $0x4000, $0x38;
	[tilespmem:$0x11000] =	vst v63  }
0x8e: {  	_ = 	snop  }
0x8f: {  	[tilespmem:s10], [sflag:$0x4] =	stream.indirect.gather [hbm4b:s3+s14], $0x80, s28, s14, $0xb8;
	[tilespmem:$0x11000] =	vst v63  }
0x90: {  	_ =	swait.ge [sflag:s18], $0x4000  }
0x91: {  	[sflag:s18] =	ssyncset.done $0x0  }
0x92: {  	s0 =	rddreg [dreg:$0x6];
	[sflag:s18] =	ssyncadd.s32 $0xFFFFC000  }
0x93: {  	[hbm4b:s0+s2] =	stream.linear.scatter [tilespmem:s13], [sflag:$0x6], $0x4000, $0x38;
	[tilespmem:$0x11000] =	vst v63  }
0x94: {  	_ =	swait.ge [sflag:s9], $0x4000  }
0x95: {  	[sflag:s9] =	ssyncset.done $0x0  }
0x96: {  	[sflag:s9] =	ssyncadd.s32 $0xFFFFC000  }
0x97: {  	[tilespmem:s17], [sflag:$0x1] =	stream.indirect.gather [hbm4b:s3+s14], $0x80, s14, s14, $0xb8;
	[tilespmem:$0x11000] =	vst v63  }
0x98: {  	_ =	swait.ge [sflag:s16], $0x4000  }
0x99: {  	[sflag:s16] =	ssyncset.done $0x0  }
0x9a: {  	s0 =	rddreg [dreg:$0x7];
	[sflag:s16] =	ssyncadd.s32 $0xFFFFC000  }
0x9b: {  	[hbm4b:s0+s2] =	stream.linear.scatter [tilespmem:s12], [sflag:$0x7], $0x4000, $0x38;
	[tilespmem:$0x11000] =	vst v63  }
0x9c: {  	_ =	swait.ge [sflag:s7], $0x4000  }
0x9d: {  	[sflag:s7] =	ssyncset.done $0x0  }
0x9e: {  	[sflag:s7] =	ssyncadd.s32 $0xFFFFC000  }
0x9f: {  	[tilespmem:s13], [sflag:$0x2] =	stream.indirect.gather [hbm4b:s3+s14], $0x80, s26, s14, $0xb8;
	[tilespmem:$0x11000] =	vst v63  }
0xa0: {  	_ =	swait.ge [sflag:s15], $0x4000  }
0xa1: {  	[sflag:s15] =	ssyncset.done $0x0  }
0xa2: {  	s0 =	rddreg [dreg:$0x8];
	[sflag:s15] =	ssyncadd.s32 $0xFFFFC000  }
0xa3: {  	[hbm4b:s0+s2] =	stream.linear.scatter [tilespmem:s10], [sflag:$0x8], $0x4000, $0x38;
	[tilespmem:$0x11000] =	vst v63  }
0xa4: {  	_ =	swait.ge [sflag:s8], $0x4000  }
0xa5: {  	[sflag:s8] =	ssyncset.done $0x0  }
0xa6: {  	[sflag:s8] =	ssyncadd.s32 $0xFFFFC000  }
0xa7: {  	[tilespmem:s12], [sflag:$0x3] =	stream.indirect.gather [hbm4b:s3+s14], $0x80, s25, s14, $0xb8;
	[tilespmem:$0x11000] =	vst v63  }
0xa8: {  	_ =	swait.ge [sflag:s19], $0x4000  }
0xa9: {  	[sflag:s19] =	ssyncset.done $0x0  }
0xaa: {  	s0 =	rddreg [dreg:$0x9];
	[sflag:s19] =	ssyncadd.s32 $0xFFFFC000  }
0xab: {  	[hbm4b:s0+s2] =	stream.linear.scatter [tilespmem:s17], [sflag:$0x5], $0x4000, $0x38;
	[tilespmem:$0x11000] =	vst v63  }
0xac: {  	_ =	swait.ge [sflag:s11], $0x4000  }
0xad: {  	[sflag:s11] =	ssyncset.done $0x0  }
0xae: {  	[sflag:s11] =	ssyncadd.s32 $0xFFFFC000  }
0xaf: {  	[tilespmem:s10], [sflag:$0x4] =	stream.indirect.gather [hbm4b:s3+s14], $0x80, s24, s14, $0xb8;
	[tilespmem:$0x11000] =	vst v63  }
0xb0: {  	_ =	swait.ge [sflag:s18], $0x4000  }
0xb1: {  	[sflag:s18] =	ssyncset.done $0x0  }
0xb2: {  	s0 =	rddreg [dreg:$0xa];
	[sflag:s18] =	ssyncadd.s32 $0xFFFFC000  }
0xb3: {  	[hbm4b:s0+s2] =	stream.linear.scatter [tilespmem:s13], [sflag:$0x6], $0x4000, $0x38;
	[tilespmem:$0x11000] =	vst v63  }
0xb4: {  	_ =	swait.ge [sflag:s9], $0x4000  }
0xb5: {  	[sflag:s9] =	ssyncset.done $0x0  }
0xb6: {  	[sflag:s9] =	ssyncadd.s32 $0xFFFFC000  }
0xb7: {  	[tilespmem:s17], [sflag:$0x1] =	stream.indirect.gather [hbm4b:s3+s14], $0x80, s23, s14, $0xb8;
	[tilespmem:$0x11000] =	vst v63  }
0xb8: {  	_ =	swait.ge [sflag:s16], $0x4000  }
0xb9: {  	[sflag:s16] =	ssyncset.done $0x0  }
0xba: {  	s0 =	rddreg [dreg:$0xb];
	[sflag:s16] =	ssyncadd.s32 $0xFFFFC000  }
0xbb: {  	[hbm4b:s0+s2] =	stream.linear.scatter [tilespmem:s12], [sflag:$0x7], $0x4000, $0x38;
	[tilespmem:$0x11000] =	vst v63  }
0xbc: {  	_ =	swait.ge [sflag:s7], $0x4000  }
0xbd: {  	[sflag:s7] =	ssyncset.done $0x0  }
0xbe: {  	[sflag:s7] =	ssyncadd.s32 $0xFFFFC000  }
0xbf: {  	[tilespmem:s13], [sflag:$0x2] =	stream.indirect.gather [hbm4b:s3+s14], $0x80, s22, s14, $0xb8;
	[tilespmem:$0x11000] =	vst v63  }
0xc0: {  	_ =	swait.ge [sflag:s15], $0x4000  }
0xc1: {  	[sflag:s15] =	ssyncset.done $0x0  }
0xc2: {  	s0 =	rddreg [dreg:$0xc];
	[sflag:s15] =	ssyncadd.s32 $0xFFFFC000  }
0xc3: {  	[hbm4b:s0+s2] =	stream.linear.scatter [tilespmem:s10], [sflag:$0x8], $0x4000, $0x38;
	[tilespmem:$0x11000] =	vst v63  }
0xc4: {  	_ =	swait.ge [sflag:s8], $0x4000  }
0xc5: {  	[sflag:s8] =	ssyncset.done $0x0  }
0xc6: {  	[sflag:s8] =	ssyncadd.s32 $0xFFFFC000  }
0xc7: {  	[tilespmem:s12], [sflag:$0x3] =	stream.indirect.gather [hbm4b:s3+s14], $0x80, s21, s14, $0xb8;
	[tilespmem:$0x11000] =	vst v63  }
0xc8: {  	_ =	swait.ge [sflag:s19], $0x4000  }
0xc9: {  	[sflag:s19] =	ssyncset.done $0x0  }
0xca: {  	s0 =	rddreg [dreg:$0xd];
	[sflag:s19] =	ssyncadd.s32 $0xFFFFC000  }
0xcb: {  	[hbm4b:s0+s2] =	stream.linear.scatter [tilespmem:s17], [sflag:$0x5], $0x4000, $0x38;
	[tilespmem:$0x11000] =	vst v63  }
0xcc: {  	_ =	swait.ge [sflag:s11], $0x4000  }
0xcd: {  	[sflag:s11] =	ssyncset.done $0x0  }
0xce: {  	[sflag:s11] =	ssyncadd.s32 $0xFFFFC000  }
0xcf: {  	[tilespmem:s10], [sflag:$0x4] =	stream.indirect.gather [hbm4b:s3+s14], $0x80, s20, s14, $0xb8;
	[tilespmem:$0x11000] =	vst v63  }
0xd0: {  	_ =	swait.ge [sflag:s18], $0x4000  }
0xd1: {  	[sflag:s18] =	ssyncset.done $0x0  }
0xd2: {  	[sflag:s18] =	ssyncadd.s32 $0xFFFFC000  }
0xd3: {  	[hbm4b:s6+s2] =	stream.linear.scatter [tilespmem:s13], [sflag:$0x6], $0x4000, $0x38;
	[tilespmem:$0x11000] =	vst v63  }
0xd4: {  	_ =	swait.ge [sflag:s16], $0x4000  }
0xd5: {  	[sflag:s16] =	ssyncset.done $0x0  }
0xd6: {  	[sflag:s16] =	ssyncadd.s32 $0xFFFFC000  }
0xd7: {  	[hbm4b:s5+s2] =	stream.linear.scatter [tilespmem:s12], [sflag:$0x7], $0x4000, $0x38;
	[tilespmem:$0x11000] =	vst v63  }
0xd8: {  	_ =	swait.ge [sflag:s15], $0x4000  }
0xd9: {  	[sflag:s15] =	ssyncset.done $0x0  }
0xda: {  	[sflag:s15] =	ssyncadd.s32 $0xFFFFC000  }
0xdb: {  	[hbm4b:s4+s2] =	stream.linear.scatter [tilespmem:s10], [sflag:$0x8], $0x4000, $0x38;
	[tilespmem:$0x11000] =	vst v63  }
0xdc: {  	_ =	swait.ge [sflag:s9], $0x4000  }
0xdd: {  	[sflag:s9] =	ssyncset.done $0x0  }
0xde: {  	[sflag:s9] =	ssyncadd.s32 $0xFFFFC000  }
0xdf: {  	_ =	swait.ge [sflag:s7], $0x4000  }
0xe0: {  	[sflag:s7] =	ssyncset.done $0x0  }
0xe1: {  	p1 =	sne.s32 s1, $0x1;
	[sflag:s7] =	ssyncadd.s32 $0xFFFFC000  }
.Ltmp2:
0xe2: {  	_ =	swait.ge [sflag:s8], $0x4000;
	(pc) =	sbr.rel @p1 .LBB2_2-.Ltmp2, $4  }
0xe3: {  	[sflag:s8] =	ssyncset.done $0x0  }
0xe4: {  	[sflag:s8] =	ssyncadd.s32 $0xFFFFC000  }
0xe5: {  	_ =	swait.ge [sflag:s11], $0x4000  }
0xe6: {  	s1 =	sadd.s32 $0xFFFFFFFF, s1;
	s0 =	rddreg [dreg:$0x4];
	[sflag:s11] =	ssyncset.done $0x0  }
.LBB2_3:
0xe7: {  	[sflag:s11] =	ssyncadd.s32 @p0 $0xFFFFC000  }
0xe8: {  	[tilespmem:s2], [sflag:$0x9] =	stream.linear.gather [hbm4b:s0+s2], $0x1000, $0x38;
	[tilespmem:$0x11000] =	vst v63  }
0xe9: {  	_ =	swait.ge [sflag:s29], $0x1000  }
0xea: {  	[sflag:s29] =	ssyncset.done $0x0  }
0xeb: {  	[sflag:s29] =	ssyncadd.s32 $0xFFFFF000  }
0xec: {  	[tilespmem:s17], [sflag:$0x1] =	stream.indirect.gather [hbm4b:s3+s14], $0x80, s2, s14, $0xb8;
	[tilespmem:$0x11000] =	vst v63  }
0xed: {  	_ = 	snop  }
0xee: {  	[tilespmem:s13], [sflag:$0x2] =	stream.indirect.gather [hbm4b:s3+s14], $0x80, s30, s14, $0xb8;
	[tilespmem:$0x11000] =	vst v63  }
0xef: {  	_ = 	snop  }
0xf0: {  	[tilespmem:s12], [sflag:$0x3] =	stream.indirect.gather [hbm4b:s3+s14], $0x80, s31, s14, $0xb8;
	[tilespmem:$0x11000] =	vst v63  }
0xf1: {  	_ =	swait.ge [sflag:s19], $0x4000  }
0xf2: {  	[sflag:s19] =	ssyncset.done $0x0  }
0xf3: {  	s29 =	rddreg [dreg:$0x5];
	[sflag:s19] =	ssyncadd.s32 $0xFFFFC000  }
0xf4: {  	[hbm4b:s29+s2] =	stream.linear.scatter [tilespmem:s17], [sflag:$0x5], $0x4000, $0x38;
	[tilespmem:$0x11000] =	vst v63  }
0xf5: {  	_ = 	snop  }
0xf6: {  	[tilespmem:s10], [sflag:$0x4] =	stream.indirect.gather [hbm4b:s3+s14], $0x80, s28, s14, $0xb8;
	[tilespmem:$0x11000] =	vst v63  }
0xf7: {  	_ =	swait.ge [sflag:s18], $0x4000  }
0xf8: {  	[sflag:s18] =	ssyncset.done $0x0  }
0xf9: {  	s30 =	rddreg [dreg:$0x6];
	[sflag:s18] =	ssyncadd.s32 $0xFFFFC000  }
0xfa: {  	[hbm4b:s30+s2] =	stream.linear.scatter [tilespmem:s13], [sflag:$0x6], $0x4000, $0x38;
	[tilespmem:$0x11000] =	vst v63  }
0xfb: {  	_ =	swait.ge [sflag:s9], $0x4000  }
0xfc: {  	[sflag:s9] =	ssyncset.done $0x0  }
0xfd: {  	[sflag:s9] =	ssyncadd.s32 $0xFFFFC000  }
0xfe: {  	[tilespmem:s17], [sflag:$0x1] =	stream.indirect.gather [hbm4b:s3+s14], $0x80, s14, s14, $0xb8;
	[tilespmem:$0x11000] =	vst v63  }
0xff: {  	_ =	swait.ge [sflag:s16], $0x4000  }
0x100: {  	[sflag:s16] =	ssyncset.done $0x0  }
0x101: {  	s31 =	rddreg [dreg:$0x7];
	[sflag:s16] =	ssyncadd.s32 $0xFFFFC000  }
0x102: {  	[hbm4b:s31+s2] =	stream.linear.scatter [tilespmem:s12], [sflag:$0x7], $0x4000, $0x38;
	[tilespmem:$0x11000] =	vst v63  }
0x103: {  	_ =	swait.ge [sflag:s7], $0x4000  }
0x104: {  	[sflag:s7] =	ssyncset.done $0x0  }
0x105: {  	[sflag:s7] =	ssyncadd.s32 $0xFFFFC000  }
0x106: {  	[tilespmem:s13], [sflag:$0x2] =	stream.indirect.gather [hbm4b:s3+s14], $0x80, s26, s14, $0xb8;
	[tilespmem:$0x11000] =	vst v63  }
0x107: {  	_ =	swait.ge [sflag:s15], $0x4000  }
0x108: {  	[sflag:s15] =	ssyncset.done $0x0  }
0x109: {  	s1 =	rddreg [dreg:$0x8];
	[sflag:s15] =	ssyncadd.s32 $0xFFFFC000  }
0x10a: {  	[hbm4b:s1+s2] =	stream.linear.scatter [tilespmem:s10], [sflag:$0x8], $0x4000, $0x38;
	[tilespmem:$0x11000] =	vst v63  }
0x10b: {  	_ =	swait.ge [sflag:s8], $0x4000  }
0x10c: {  	[sflag:s8] =	ssyncset.done $0x0  }
0x10d: {  	[sflag:s8] =	ssyncadd.s32 $0xFFFFC000  }
0x10e: {  	[tilespmem:s12], [sflag:$0x3] =	stream.indirect.gather [hbm4b:s3+s14], $0x80, s25, s14, $0xb8;
	[tilespmem:$0x11000] =	vst v63  }
0x10f: {  	_ =	swait.ge [sflag:s19], $0x4000  }
0x110: {  	[sflag:s19] =	ssyncset.done $0x0  }
0x111: {  	s25 =	rddreg [dreg:$0x9];
	[sflag:s19] =	ssyncadd.s32 $0xFFFFC000  }
0x112: {  	[hbm4b:s25+s2] =	stream.linear.scatter [tilespmem:s17], [sflag:$0x5], $0x4000, $0x38;
	[tilespmem:$0x11000] =	vst v63  }
0x113: {  	_ =	swait.ge [sflag:s11], $0x4000  }
0x114: {  	[sflag:s11] =	ssyncset.done $0x0  }
0x115: {  	[sflag:s11] =	ssyncadd.s32 $0xFFFFC000  }
0x116: {  	[tilespmem:s10], [sflag:$0x4] =	stream.indirect.gather [hbm4b:s3+s14], $0x80, s24, s14, $0xb8;
	[tilespmem:$0x11000] =	vst v63  }
0x117: {  	_ =	swait.ge [sflag:s18], $0x4000  }
0x118: {  	[sflag:s18] =	ssyncset.done $0x0  }
0x119: {  	s26 =	rddreg [dreg:$0xa];
	[sflag:s18] =	ssyncadd.s32 $0xFFFFC000  }
0x11a: {  	[hbm4b:s26+s2] =	stream.linear.scatter [tilespmem:s13], [sflag:$0x6], $0x4000, $0x38;
	[tilespmem:$0x11000] =	vst v63  }
0x11b: {  	_ =	swait.ge [sflag:s9], $0x4000  }
0x11c: {  	[sflag:s9] =	ssyncset.done $0x0  }
0x11d: {  	[sflag:s9] =	ssyncadd.s32 $0xFFFFC000  }
0x11e: {  	[tilespmem:s17], [sflag:$0x1] =	stream.indirect.gather [hbm4b:s3+s14], $0x80, s23, s14, $0xb8;
	[tilespmem:$0x11000] =	vst v63  }
0x11f: {  	_ =	swait.ge [sflag:s16], $0x4000  }
0x120: {  	[sflag:s16] =	ssyncset.done $0x0  }
0x121: {  	s28 =	rddreg [dreg:$0xb];
	[sflag:s16] =	ssyncadd.s32 $0xFFFFC000  }
0x122: {  	[hbm4b:s28+s2] =	stream.linear.scatter [tilespmem:s12], [sflag:$0x7], $0x4000, $0x38;
	[tilespmem:$0x11000] =	vst v63  }
0x123: {  	_ =	swait.ge [sflag:s7], $0x4000  }
0x124: {  	[sflag:s7] =	ssyncset.done $0x0  }
0x125: {  	[sflag:s7] =	ssyncadd.s32 $0xFFFFC000  }
0x126: {  	[tilespmem:s13], [sflag:$0x2] =	stream.indirect.gather [hbm4b:s3+s14], $0x80, s22, s14, $0xb8;
	[tilespmem:$0x11000] =	vst v63  }
0x127: {  	_ =	swait.ge [sflag:s15], $0x4000  }
0x128: {  	[sflag:s15] =	ssyncset.done $0x0  }
0x129: {  	s29 =	rddreg [dreg:$0xc];
	[sflag:s15] =	ssyncadd.s32 $0xFFFFC000  }
0x12a: {  	[hbm4b:s29+s2] =	stream.linear.scatter [tilespmem:s10], [sflag:$0x8], $0x4000, $0x38;
	[tilespmem:$0x11000] =	vst v63  }
0x12b: {  	_ =	swait.ge [sflag:s8], $0x4000  }
0x12c: {  	[sflag:s8] =	ssyncset.done $0x0  }
0x12d: {  	[sflag:s8] =	ssyncadd.s32 $0xFFFFC000  }
0x12e: {  	[tilespmem:s12], [sflag:$0x3] =	stream.indirect.gather [hbm4b:s3+s14], $0x80, s21, s14, $0xb8;
	[tilespmem:$0x11000] =	vst v63  }
0x12f: {  	_ =	swait.ge [sflag:s19], $0x4000  }
0x130: {  	[sflag:s19] =	ssyncset.done $0x0  }
0x131: {  	s30 =	rddreg [dreg:$0xd];
	[sflag:s19] =	ssyncadd.s32 $0xFFFFC000  }
0x132: {  	[hbm4b:s30+s2] =	stream.linear.scatter [tilespmem:s17], [sflag:$0x5], $0x4000, $0x38;
	[tilespmem:$0x11000] =	vst v63  }
0x133: {  	_ =	swait.ge [sflag:s11], $0x4000  }
0x134: {  	[sflag:s11] =	ssyncset.done $0x0  }
0x135: {  	[sflag:s11] =	ssyncadd.s32 $0xFFFFC000  }
0x136: {  	[tilespmem:s10], [sflag:$0x4] =	stream.indirect.gather [hbm4b:s3+s14], $0x80, s20, s14, $0xb8;
	[tilespmem:$0x11000] =	vst v63  }
0x137: {  	_ =	swait.ge [sflag:s18], $0x4000  }
0x138: {  	[sflag:s18] =	ssyncset.done $0x0  }
0x139: {  	[sflag:s18] =	ssyncadd.s32 $0xFFFFC000  }
0x13a: {  	[hbm4b:s6+s2] =	stream.linear.scatter [tilespmem:s13], [sflag:$0x6], $0x4000, $0x38;
	[tilespmem:$0x11000] =	vst v63  }
0x13b: {  	_ =	swait.ge [sflag:s16], $0x4000  }
0x13c: {  	[sflag:s16] =	ssyncset.done $0x0  }
0x13d: {  	[sflag:s16] =	ssyncadd.s32 $0xFFFFC000  }
0x13e: {  	[hbm4b:s5+s2] =	stream.linear.scatter [tilespmem:s12], [sflag:$0x7], $0x4000, $0x38;
	[tilespmem:$0x11000] =	vst v63  }
0x13f: {  	_ =	swait.ge [sflag:s15], $0x4000  }
0x140: {  	[sflag:s15] =	ssyncset.done $0x0  }
0x141: {  	[sflag:s15] =	ssyncadd.s32 $0xFFFFC000  }
0x142: {  	[hbm4b:s4+s2] =	stream.linear.scatter [tilespmem:s10], [sflag:$0x8], $0x4000, $0x38;
	[tilespmem:$0x11000] =	vst v63  }
0x143: {  	_ =	swait.ge [sflag:s9], $0x4000  }
0x144: {  	[sflag:s9] =	ssyncset.done $0x0  }
0x145: {  	[sflag:s9] =	ssyncadd.s32 $0xFFFFC000  }
0x146: {  	_ =	swait.ge [sflag:s7], $0x4000  }
0x147: {  	[sflag:s7] =	ssyncset.done $0x0  }
0x148: {  	[sflag:s7] =	ssyncadd.s32 $0xFFFFC000  }
0x149: {  	_ =	swait.ge [sflag:s8], $0x4000  }
0x14a: {  	[sflag:s8] =	ssyncset.done $0x0  }
0x14b: {  	[sflag:s8] =	ssyncadd.s32 $0xFFFFC000  }
0x14c: {  	_ =	swait.ge [sflag:s11], $0x4000  }
0x14d: {  	[sflag:s11] =	ssyncset.done $0x0  }
0x14e: {  	[sflag:s11] =	ssyncadd.s32 $0xFFFFC000  }
0x14f: {  	_ =	sfence.sel $0x180000  }
0x150: {  	[bflag:$0x0] =	sbarrier.arrive $0xFFFF  }
0x151: {  	_ =	strace $0x90000047  }
0x152: {  	s31 =	stileid.u32;
	[bflag:$0x2] =	sbarrier.arrive $0xFFFF  }
0x153: {  	p0 =	sne.s32 s31, $0x0;
	s0 =	rddreg [dreg:$0x3]  }
0x154: {  	s0 =	sadd.s32 @!p0 $0x100000, s0  }
0x155: {  	[sflag:s0] =	ssyncadd.tile.s32 @!p0 $0x1;
	_ =	shalt  }
.Lfunc_end2:
_tile_overlayer_lowered:
.L_overlay_start_2:
0x156: {  	(tag) =	ssettag $0x2  }
0x157: {  	s0 =	rddreg [dreg:$0x0];
	s2 =	stileid.u32  }
0x158: {  	s1 =	rddreg [dreg:$0x1];
	p0 =	sne.s32 s2, $0x0  }
0x159: {  	s3 =	rddreg [dreg:$0x2];
	[bflag:$0x3] =	sbarrier.arrive $0xFFFF;
	s2 =	simm.s32 @!p0 $0x1C09  }
0x15a: {  	[timem:s3], [sflag:s2] =	dma.local @!p0 [hbm:s0], s1  }
0x15b: {  	s0 =	simm.s32 @!p0 $0x9  }
0x15c: {  	_ =	swait.ge @!p0 [sflag:s0], s1  }
0x15d: {  	s1 =	ssub.s32 @!p0 $0x0, s1;
	[sflag:s0] =	ssyncset.done @!p0 $0x0  }
0x15e: {  	[sflag:s0] =	ssyncadd.s32 @!p0 s1  }
0x15f: {  	[bflag:$0x3] =	sbarrier.arrive $0xFFFF  }
0x160: {  	_ =	shalt  }

</sc_bundles>
